<compile_context>
chip_gen: v7x
topology: tpu7x:2x2x1
jax: 0.10.2.dev20260603
libtpu: 0.0.44.dev20260713+nightly
codegen_flags: <defaults>
</compile_context>

<pallas_src>
import functools

import jax
import jax.numpy as jnp
from jax import lax
from jax.experimental import pallas as pl
from jax.experimental.pallas import tpu as pltpu
from jax.experimental.pallas import tpu_sc as plsc

N = 10000
E = 320000
D = 128
BN_EPS = 1e-5

NC = 2
NS = 16
NW = NC * NS
EPW = E // NW
CH = 80
NCHUNK = EPW // CH
SPAN = 624
NSP = 6
ZR = 104
TAIL = 16
TAIL0 = NS * SPAN
LPR = D // 16


def _sc_aggregate(x, src, dst):
  mesh = plsc.VectorSubcoreMesh(
      core_axis_name="c", subcore_axis_name="s",
      num_cores=NC, num_subcores=NS)

  @functools.partial(
      pl.kernel,
      out_type=jax.ShapeDtypeStruct((NC, N, D), jnp.float32),
      mesh=mesh,
      scratch_types=[
          pltpu.VMEM((CH,), jnp.int32),
          pltpu.VMEM((CH,), jnp.int32),
          pltpu.VMEM((CH, D), jnp.float32),
          pltpu.VMEM((ZR, D), jnp.float32),
          pltpu.SemaphoreType.DMA,
          pltpu.VMEM_SHARED((N, D), jnp.float32),
      ],
  )
  def agg_kernel(x_hbm, src_hbm, dst_hbm, out_hbm, src_v, dst_v, rows_v,
                 stage_v, sem, acc_sh):
    c = lax.axis_index("c")
    s = lax.axis_index("s")
    wid = c * NS + s

    zeros16 = jnp.zeros((16,), jnp.float32)

    def zbody(i, carry):
      stage_v[i // LPR, pl.ds((i % LPR) * 16, 16)] = zeros16
      return carry

    lax.fori_loop(0, ZR * LPR, zbody, 0)
    for k in range(NSP):
      pltpu.sync_copy(stage_v, acc_sh.at[pl.ds(s * SPAN + k * ZR, ZR)])

    @pl.when(s == 0)
    def _():
      pltpu.sync_copy(stage_v.at[pl.ds(0, TAIL)], acc_sh.at[pl.ds(TAIL0, TAIL)])

    plsc.subcore_barrier()

    def chunk_body(i, carry):
      base = wid * EPW + i * CH
      pltpu.sync_copy(src_hbm.at[pl.ds(base, CH)], src_v)
      pltpu.sync_copy(dst_hbm.at[pl.ds(base, CH)], dst_v)
      pltpu.async_copy(x_hbm.at[src_v], rows_v, sem).wait()
      pltpu.sync_copy(rows_v, acc_sh.at[dst_v], add=True)
      return carry

    lax.fori_loop(0, NCHUNK, chunk_body, 0)
    plsc.subcore_barrier()

    for k in range(NSP):
      row0 = s * SPAN + k * ZR
      pltpu.sync_copy(acc_sh.at[pl.ds(row0, ZR)], stage_v)
      pltpu.sync_copy(stage_v, out_hbm.at[c, pl.ds(row0, ZR)])

    @pl.when(s == 0)
    def _():
      pltpu.sync_copy(acc_sh.at[pl.ds(TAIL0, TAIL)], stage_v.at[pl.ds(0, TAIL)])
      pltpu.sync_copy(stage_v.at[pl.ds(0, TAIL)],
                      out_hbm.at[c, pl.ds(TAIL0, TAIL)])

  return agg_kernel(x, src, dst)


def _tc_mlp(x, parts, W1, b1, W2, b2, gamma, beta):

  def body(x_ref, p_ref, w1_ref, b1_ref, w2_ref, b2_ref, g_ref, bt_ref,
           o_ref):
    xx = x_ref[...]
    h = xx + p_ref[0] + p_ref[1]
    h = jnp.dot(h, w1_ref[...], preferred_element_type=jnp.float32)
    h = jnp.maximum(h + b1_ref[...], 0.0)
    h = jnp.dot(h, w2_ref[...], preferred_element_type=jnp.float32)
    h = h + b2_ref[...]
    mean = jnp.mean(h, axis=0, keepdims=True)
    cen = h - mean
    var = jnp.mean(cen * cen, axis=0, keepdims=True)
    h = cen * lax.rsqrt(var + BN_EPS) * g_ref[...] + bt_ref[...]
    o_ref[...] = xx + jnp.maximum(h, 0.0)

  return pl.pallas_call(
      body,
      out_shape=jax.ShapeDtypeStruct((N, D), jnp.float32),
  )(x, parts, W1, b1.reshape(1, D), W2, b2.reshape(1, D),
    gamma.reshape(1, D), beta.reshape(1, D))


def kernel(x, edge_index, W1, b1, W2, b2, gamma, beta):
  parts = _sc_aggregate(x, edge_index[0], edge_index[1])
  return _tc_mlp(x, parts, W1, b1, W2, b2, gamma, beta)

# --- scband reference (transcript-rebuilt; emitter-appended) ---
"""Pipeline reference for scband-ginlayer-43061342110476 (READ-ONLY COPY).

The authoritative reference and input builder live on the scoring server;
editing this copy changes nothing except your own understanding.
"""

import jax, jax.numpy as jnp
import numpy as np

N_NODES = 10000
N_EDGES = 320000
D = 128
EPS = 0.0
BN_EPS = 1e-5

def setup_inputs(seed: int = 0) -> dict:
    key = jax.random.key(seed)
    k_x, k_e, k_w1, k_b1, k_w2, k_b2, k_g, k_bt = jax.random.split(key, 8)
    x = jax.random.normal(k_x, (N_NODES, D), dtype=jnp.float32)
    edge_index = jax.random.randint(k_e, (2, N_EDGES), 0, N_NODES, dtype=jnp.int32)
    scale = 1.0 / np.sqrt(D)
    W1 = jax.random.uniform(k_w1, (D, D), dtype=jnp.float32, minval=-scale, maxval=scale)
    b1 = jax.random.uniform(k_b1, (D,), dtype=jnp.float32, minval=-scale, maxval=scale)
    W2 = jax.random.uniform(k_w2, (D, D), dtype=jnp.float32, minval=-scale, maxval=scale)
    b2 = jax.random.uniform(k_b2, (D,), dtype=jnp.float32, minval=-scale, maxval=scale)
    gamma = jnp.ones((D,), dtype=jnp.float32)
    beta = jnp.zeros((D,), dtype=jnp.float32)
    return {"x": x, "edge_index": edge_index, "W1": W1, "b1": b1, "W2": W2, "b2": b2, "gamma": gamma, "beta": beta}

def reference(x, edge_index, W1, b1, W2, b2, gamma, beta):
    src = edge_index[0]
    dst = edge_index[1]
    # GINConv: sum aggregation of neighbor messages (gather + scatter-add)
    msgs = jnp.take(x, src, axis=0)
    agg = jax.ops.segment_sum(msgs, dst, num_segments=x.shape[0])
    h = (1.0 + EPS) * x + agg
    # MLP: Linear -> ReLU -> Linear
    h = h @ W1 + b1
    h = jax.nn.relu(h)
    h = h @ W2 + b2
    # BatchNorm (training-mode batch statistics over node dim)
    mean = jnp.mean(h, axis=0)
    var = jnp.var(h, axis=0)
    h = (h - mean) / jnp.sqrt(var + BN_EPS) * gamma + beta
    # ReLU
    h = jax.nn.relu(h)
    # residual (in_dim == out_dim, residule=True)
    h = x + h
    # dropout p=0.0 -> identity
    return h

if __name__ == "__main__":
    import jax
    _d = setup_inputs()
    print(jax.jit(kernel)(*tuple(_d.values())))

</pallas_src>

<mosaic_0001>
#map = affine_map<(d0, d1) -> (0, 0)>
#map1 = affine_map<(d0, d1) -> (0)>
#map2 = affine_map<(d0, d1) -> (0, 0, 0)>
module attributes {stable_mosaic.version = 14 : i64} {
  func.func @agg_kernel(%arg0: i32, %arg1: i32, %arg2: memref<10000x128xf32, #tpu.memory_space<hbm>>, %arg3: memref<320000xi32, #tpu.memory_space<hbm>>, %arg4: memref<320000xi32, #tpu.memory_space<hbm>>, %arg5: memref<2x10000x128xf32, #tpu.memory_space<hbm>>, %arg6: memref<80xi32, #tpu.memory_space<vmem>>, %arg7: memref<80xi32, #tpu.memory_space<vmem>>, %arg8: memref<80x128xf32, #tpu.memory_space<vmem>>, %arg9: memref<104x128xf32, #tpu.memory_space<vmem>>, %arg10: memref<!tpu.dma_semaphore, #tpu.memory_space<semaphore_mem>>, %arg11: memref<10000x128xf32, #tpu.memory_space<vmem_shared>>) attributes {dimension_semantics = [#tpu.dimension_semantics<core_parallel>, #tpu.dimension_semantics<subcore_parallel>], iteration_bounds = array<i64: 2, 16>, scalar_prefetch = 0 : i64, scratch_operands = 6 : i64, tpu.core_type = #tpu.core_type<sc_vector_subcore>, window_params = [{transform_indices = #map}, {transform_indices = #map1}, {transform_indices = #map1}, {transform_indices = #map2}]} {
    %mul3A = arith.constant 16 : i32
    %mul3A_0 = arith.muli %arg0, %mul3A : i32
    %add3A = arith.addi %mul3A_0, %arg1 : i32
    %broadcast_in_dim3A = arith.constant 0.000000e+00 : f32
    %broadcast_in_dim3A_1 = vector.broadcast %broadcast_in_dim3A : f32 to vector<16xf32>
    %scan3A = arith.constant 0 : i32
    %scan3A_2 = arith.constant 0 : i32
    %scan3A_3 = arith.constant 832 : i32
    %scan3A_4 = arith.addi %scan3A_2, %scan3A_3 : i32
    %scan3A_5 = arith.constant 1 : i32
    scf.for %scan3A_69 = %scan3A_2 to %scan3A_4 step %scan3A_5  : i32 {
      %jit3A = arith.constant 8 : i32
      %div3A = arith.divsi %scan3A_69, %jit3A : i32
      %sign3A = arith.constant 0 : i32
      %sign3A_70 = arith.cmpi sgt, %scan3A_69, %sign3A : i32
      %sign3A_71 = arith.extui %sign3A_70 : i1 to i32
      %sign3A_72 = arith.constant 0 : i32
      %sign3A_73 = arith.cmpi slt, %scan3A_69, %sign3A_72 : i32
      %sign3A_74 = arith.extui %sign3A_73 : i1 to i32
      %sign3A_75 = arith.subi %sign3A_71, %sign3A_74 : i32
      %sign3A_76 = arith.constant 0 : i32
      %sign3A_77 = arith.cmpi sgt, %jit3A, %sign3A_76 : i32
      %sign3A_78 = arith.extui %sign3A_77 : i1 to i32
      %sign3A_79 = arith.constant 0 : i32
      %sign3A_80 = arith.cmpi slt, %jit3A, %sign3A_79 : i32
      %sign3A_81 = arith.extui %sign3A_80 : i1 to i32
      %sign3A_82 = arith.subi %sign3A_78, %sign3A_81 : i32
      %ne3A = arith.cmpi ne, %sign3A_75, %sign3A_82 : i32
      %rem3A = arith.remsi %scan3A_69, %jit3A : i32
      %ne3A_83 = arith.constant 0 : i32
      %ne3A_84 = arith.cmpi ne, %rem3A, %ne3A_83 : i32
      %and3A = arith.andi %ne3A, %ne3A_84 : i1
      %sub3A = arith.constant 1 : i32
      %sub3A_85 = arith.subi %div3A, %sub3A : i32
      %select_n3A = arith.select %and3A, %sub3A_85, %div3A : i32
      %jit3A_86 = arith.constant 8 : i32
      %eq3A_87 = arith.constant 0 : i32
      %eq3A_88 = arith.cmpi eq, %jit3A_86, %eq3A_87 : i32
      %jit3A_89 = arith.constant 1 : i32
      %select_n3A_90 = arith.select %eq3A_88, %jit3A_89, %jit3A_86 : i32
      %rem3A_91 = arith.remsi %scan3A_69, %select_n3A_90 : i32
      %ne3A_92 = arith.constant 0 : i32
      %ne3A_93 = arith.cmpi ne, %rem3A_91, %ne3A_92 : i32
      %lt3A = arith.constant 0 : i32
      %lt3A_94 = arith.cmpi slt, %rem3A_91, %lt3A : i32
      %lt3A_95 = arith.constant 0 : i32
      %lt3A_96 = arith.cmpi slt, %select_n3A_90, %lt3A_95 : i32
      %ne3A_97 = arith.xori %lt3A_94, %lt3A_96 : i1
      %and3A_98 = arith.andi %ne3A_97, %ne3A_93 : i1
      %add3A_99 = arith.addi %rem3A_91, %select_n3A_90 : i32
      %select_n3A_100 = arith.select %and3A_98, %add3A_99, %rem3A_91 : i32
      %mul3A_101 = arith.constant 16 : i32
      %mul3A_102 = arith.muli %select_n3A_100, %mul3A_101 : i32
      %swap3A = arith.index_cast %select_n3A : i32 to index
      %swap3A_103 = arith.index_cast %mul3A_102 : i32 to index
      %swap3A_104 = tpu.vector_load %arg9[%swap3A, %swap3A_103] {strides = array<i32>} : memref<104x128xf32, #tpu.memory_space<vmem>>, vector<1x16xf32>,
      %swap3A_105 = vector.shape_cast %swap3A_104 : vector<1x16xf32> to vector<16xf32>
      %swap3A_106 = vector.shape_cast %broadcast_in_dim3A_1 : vector<16xf32> to vector<1x16xf32>
      tpu.vector_store %arg9[%swap3A, %swap3A_103], %swap3A_106 {strides = array<i32>} : memref<104x128xf32, #tpu.memory_space<vmem>>, vector<1x16xf32>,
    }
    %scan3A_6 = arith.constant 832 : i32
    %mul3A_7 = arith.constant 624 : i32
    %mul3A_8 = arith.muli %arg1, %mul3A_7 : i32
    %add3A_9 = arith.constant 0 : i32
    %add3A_10 = arith.addi %mul3A_8, %add3A_9 : i32
    "tpu.region"() ({
      %run_scoped3A = tpu.sem_alloc : memref<!tpu.dma_semaphore, #tpu.memory_space<semaphore_mem>>
      %dma_start3A = arith.constant 0 : i32
      %dma_start3A_69 = tpu.memref_slice %arg11[%add3A_10, %dma_start3A] : memref<10000x128xf32, #tpu.memory_space<vmem_shared>> -> memref<104x128xf32, #tpu.memory_space<vmem_shared>>
      %dma_start3A_70 = arith.constant 0 : i32
      %dma_start3A_71 = tpu.memref_slice %arg11[%add3A_10, %dma_start3A_70] : memref<10000x128xf32, #tpu.memory_space<vmem_shared>> -> memref<104x128xf32, #tpu.memory_space<vmem_shared>>
      tpu.enqueue_dma source(%arg9 : memref<104x128xf32, #tpu.memory_space<vmem>>) target(%dma_start3A_71 : memref<104x128xf32, #tpu.memory_space<vmem_shared>>) target_semaphore(%run_scoped3A : memref<!tpu.dma_semaphore, #tpu.memory_space<semaphore_mem>>)
      %dma_wait3A = arith.constant 0 : i32
      %dma_wait3A_72 = tpu.memref_slice %arg11[%add3A_10, %dma_wait3A] : memref<10000x128xf32, #tpu.memory_space<vmem_shared>> -> memref<104x128xf32, #tpu.memory_space<vmem_shared>>
      %dma_wait3A_73 = arith.constant 0 : i32
      %dma_wait3A_74 = tpu.memref_slice %arg11[%add3A_10, %dma_wait3A_73] : memref<10000x128xf32, #tpu.memory_space<vmem_shared>> -> memref<104x128xf32, #tpu.memory_space<vmem_shared>>
      tpu.wait_dma2 semaphore(%run_scoped3A : memref<!tpu.dma_semaphore, #tpu.memory_space<semaphore_mem>>) src(%arg9 : memref<104x128xf32, #tpu.memory_space<vmem>>) dst(%dma_wait3A_74 : memref<104x128xf32, #tpu.memory_space<vmem_shared>>)
      tpu.yield
    }) : () -> ()
    %mul3A_11 = arith.constant 624 : i32
    %mul3A_12 = arith.muli %arg1, %mul3A_11 : i32
    %add3A_13 = arith.constant 104 : i32
    %add3A_14 = arith.addi %mul3A_12, %add3A_13 : i32
    "tpu.region"() ({
      %run_scoped3A = tpu.sem_alloc : memref<!tpu.dma_semaphore, #tpu.memory_space<semaphore_mem>>
      %dma_start3A = arith.constant 0 : i32
      %dma_start3A_69 = tpu.memref_slice %arg11[%add3A_14, %dma_start3A] : memref<10000x128xf32, #tpu.memory_space<vmem_shared>> -> memref<104x128xf32, #tpu.memory_space<vmem_shared>>
      %dma_start3A_70 = arith.constant 0 : i32
      %dma_start3A_71 = tpu.memref_slice %arg11[%add3A_14, %dma_start3A_70] : memref<10000x128xf32, #tpu.memory_space<vmem_shared>> -> memref<104x128xf32, #tpu.memory_space<vmem_shared>>
      tpu.enqueue_dma source(%arg9 : memref<104x128xf32, #tpu.memory_space<vmem>>) target(%dma_start3A_71 : memref<104x128xf32, #tpu.memory_space<vmem_shared>>) target_semaphore(%run_scoped3A : memref<!tpu.dma_semaphore, #tpu.memory_space<semaphore_mem>>)
      %dma_wait3A = arith.constant 0 : i32
      %dma_wait3A_72 = tpu.memref_slice %arg11[%add3A_14, %dma_wait3A] : memref<10000x128xf32, #tpu.memory_space<vmem_shared>> -> memref<104x128xf32, #tpu.memory_space<vmem_shared>>
      %dma_wait3A_73 = arith.constant 0 : i32
      %dma_wait3A_74 = tpu.memref_slice %arg11[%add3A_14, %dma_wait3A_73] : memref<10000x128xf32, #tpu.memory_space<vmem_shared>> -> memref<104x128xf32, #tpu.memory_space<vmem_shared>>
      tpu.wait_dma2 semaphore(%run_scoped3A : memref<!tpu.dma_semaphore, #tpu.memory_space<semaphore_mem>>) src(%arg9 : memref<104x128xf32, #tpu.memory_space<vmem>>) dst(%dma_wait3A_74 : memref<104x128xf32, #tpu.memory_space<vmem_shared>>)
      tpu.yield
    }) : () -> ()
    %mul3A_15 = arith.constant 624 : i32
    %mul3A_16 = arith.muli %arg1, %mul3A_15 : i32
    %add3A_17 = arith.constant 208 : i32
    %add3A_18 = arith.addi %mul3A_16, %add3A_17 : i32
    "tpu.region"() ({
      %run_scoped3A = tpu.sem_alloc : memref<!tpu.dma_semaphore, #tpu.memory_space<semaphore_mem>>
      %dma_start3A = arith.constant 0 : i32
      %dma_start3A_69 = tpu.memref_slice %arg11[%add3A_18, %dma_start3A] : memref<10000x128xf32, #tpu.memory_space<vmem_shared>> -> memref<104x128xf32, #tpu.memory_space<vmem_shared>>
      %dma_start3A_70 = arith.constant 0 : i32
      %dma_start3A_71 = tpu.memref_slice %arg11[%add3A_18, %dma_start3A_70] : memref<10000x128xf32, #tpu.memory_space<vmem_shared>> -> memref<104x128xf32, #tpu.memory_space<vmem_shared>>
      tpu.enqueue_dma source(%arg9 : memref<104x128xf32, #tpu.memory_space<vmem>>) target(%dma_start3A_71 : memref<104x128xf32, #tpu.memory_space<vmem_shared>>) target_semaphore(%run_scoped3A : memref<!tpu.dma_semaphore, #tpu.memory_space<semaphore_mem>>)
      %dma_wait3A = arith.constant 0 : i32
      %dma_wait3A_72 = tpu.memref_slice %arg11[%add3A_18, %dma_wait3A] : memref<10000x128xf32, #tpu.memory_space<vmem_shared>> -> memref<104x128xf32, #tpu.memory_space<vmem_shared>>
      %dma_wait3A_73 = arith.constant 0 : i32
      %dma_wait3A_74 = tpu.memref_slice %arg11[%add3A_18, %dma_wait3A_73] : memref<10000x128xf32, #tpu.memory_space<vmem_shared>> -> memref<104x128xf32, #tpu.memory_space<vmem_shared>>
      tpu.wait_dma2 semaphore(%run_scoped3A : memref<!tpu.dma_semaphore, #tpu.memory_space<semaphore_mem>>) src(%arg9 : memref<104x128xf32, #tpu.memory_space<vmem>>) dst(%dma_wait3A_74 : memref<104x128xf32, #tpu.memory_space<vmem_shared>>)
      tpu.yield
    }) : () -> ()
    %mul3A_19 = arith.constant 624 : i32
    %mul3A_20 = arith.muli %arg1, %mul3A_19 : i32
    %add3A_21 = arith.constant 312 : i32
    %add3A_22 = arith.addi %mul3A_20, %add3A_21 : i32
    "tpu.region"() ({
      %run_scoped3A = tpu.sem_alloc : memref<!tpu.dma_semaphore, #tpu.memory_space<semaphore_mem>>
      %dma_start3A = arith.constant 0 : i32
      %dma_start3A_69 = tpu.memref_slice %arg11[%add3A_22, %dma_start3A] : memref<10000x128xf32, #tpu.memory_space<vmem_shared>> -> memref<104x128xf32, #tpu.memory_space<vmem_shared>>
      %dma_start3A_70 = arith.constant 0 : i32
      %dma_start3A_71 = tpu.memref_slice %arg11[%add3A_22, %dma_start3A_70] : memref<10000x128xf32, #tpu.memory_space<vmem_shared>> -> memref<104x128xf32, #tpu.memory_space<vmem_shared>>
      tpu.enqueue_dma source(%arg9 : memref<104x128xf32, #tpu.memory_space<vmem>>) target(%dma_start3A_71 : memref<104x128xf32, #tpu.memory_space<vmem_shared>>) target_semaphore(%run_scoped3A : memref<!tpu.dma_semaphore, #tpu.memory_space<semaphore_mem>>)
      %dma_wait3A = arith.constant 0 : i32
      %dma_wait3A_72 = tpu.memref_slice %arg11[%add3A_22, %dma_wait3A] : memref<10000x128xf32, #tpu.memory_space<vmem_shared>> -> memref<104x128xf32, #tpu.memory_space<vmem_shared>>
      %dma_wait3A_73 = arith.constant 0 : i32
      %dma_wait3A_74 = tpu.memref_slice %arg11[%add3A_22, %dma_wait3A_73] : memref<10000x128xf32, #tpu.memory_space<vmem_shared>> -> memref<104x128xf32, #tpu.memory_space<vmem_shared>>
      tpu.wait_dma2 semaphore(%run_scoped3A : memref<!tpu.dma_semaphore, #tpu.memory_space<semaphore_mem>>) src(%arg9 : memref<104x128xf32, #tpu.memory_space<vmem>>) dst(%dma_wait3A_74 : memref<104x128xf32, #tpu.memory_space<vmem_shared>>)
      tpu.yield
    }) : () -> ()
    %mul3A_23 = arith.constant 624 : i32
    %mul3A_24 = arith.muli %arg1, %mul3A_23 : i32
    %add3A_25 = arith.constant 416 : i32
    %add3A_26 = arith.addi %mul3A_24, %add3A_25 : i32
    "tpu.region"() ({
      %run_scoped3A = tpu.sem_alloc : memref<!tpu.dma_semaphore, #tpu.memory_space<semaphore_mem>>
      %dma_start3A = arith.constant 0 : i32
      %dma_start3A_69 = tpu.memref_slice %arg11[%add3A_26, %dma_start3A] : memref<10000x128xf32, #tpu.memory_space<vmem_shared>> -> memref<104x128xf32, #tpu.memory_space<vmem_shared>>
      %dma_start3A_70 = arith.constant 0 : i32
      %dma_start3A_71 = tpu.memref_slice %arg11[%add3A_26, %dma_start3A_70] : memref<10000x128xf32, #tpu.memory_space<vmem_shared>> -> memref<104x128xf32, #tpu.memory_space<vmem_shared>>
      tpu.enqueue_dma source(%arg9 : memref<104x128xf32, #tpu.memory_space<vmem>>) target(%dma_start3A_71 : memref<104x128xf32, #tpu.memory_space<vmem_shared>>) target_semaphore(%run_scoped3A : memref<!tpu.dma_semaphore, #tpu.memory_space<semaphore_mem>>)
      %dma_wait3A = arith.constant 0 : i32
      %dma_wait3A_72 = tpu.memref_slice %arg11[%add3A_26, %dma_wait3A] : memref<10000x128xf32, #tpu.memory_space<vmem_shared>> -> memref<104x128xf32, #tpu.memory_space<vmem_shared>>
      %dma_wait3A_73 = arith.constant 0 : i32
      %dma_wait3A_74 = tpu.memref_slice %arg11[%add3A_26, %dma_wait3A_73] : memref<10000x128xf32, #tpu.memory_space<vmem_shared>> -> memref<104x128xf32, #tpu.memory_space<vmem_shared>>
      tpu.wait_dma2 semaphore(%run_scoped3A : memref<!tpu.dma_semaphore, #tpu.memory_space<semaphore_mem>>) src(%arg9 : memref<104x128xf32, #tpu.memory_space<vmem>>) dst(%dma_wait3A_74 : memref<104x128xf32, #tpu.memory_space<vmem_shared>>)
      tpu.yield
    }) : () -> ()
    %mul3A_27 = arith.constant 624 : i32
    %mul3A_28 = arith.muli %arg1, %mul3A_27 : i32
    %add3A_29 = arith.constant 520 : i32
    %add3A_30 = arith.addi %mul3A_28, %add3A_29 : i32
    "tpu.region"() ({
      %run_scoped3A = tpu.sem_alloc : memref<!tpu.dma_semaphore, #tpu.memory_space<semaphore_mem>>
      %dma_start3A = arith.constant 0 : i32
      %dma_start3A_69 = tpu.memref_slice %arg11[%add3A_30, %dma_start3A] : memref<10000x128xf32, #tpu.memory_space<vmem_shared>> -> memref<104x128xf32, #tpu.memory_space<vmem_shared>>
      %dma_start3A_70 = arith.constant 0 : i32
      %dma_start3A_71 = tpu.memref_slice %arg11[%add3A_30, %dma_start3A_70] : memref<10000x128xf32, #tpu.memory_space<vmem_shared>> -> memref<104x128xf32, #tpu.memory_space<vmem_shared>>
      tpu.enqueue_dma source(%arg9 : memref<104x128xf32, #tpu.memory_space<vmem>>) target(%dma_start3A_71 : memref<104x128xf32, #tpu.memory_space<vmem_shared>>) target_semaphore(%run_scoped3A : memref<!tpu.dma_semaphore, #tpu.memory_space<semaphore_mem>>)
      %dma_wait3A = arith.constant 0 : i32
      %dma_wait3A_72 = tpu.memref_slice %arg11[%add3A_30, %dma_wait3A] : memref<10000x128xf32, #tpu.memory_space<vmem_shared>> -> memref<104x128xf32, #tpu.memory_space<vmem_shared>>
      %dma_wait3A_73 = arith.constant 0 : i32
      %dma_wait3A_74 = tpu.memref_slice %arg11[%add3A_30, %dma_wait3A_73] : memref<10000x128xf32, #tpu.memory_space<vmem_shared>> -> memref<104x128xf32, #tpu.memory_space<vmem_shared>>
      tpu.wait_dma2 semaphore(%run_scoped3A : memref<!tpu.dma_semaphore, #tpu.memory_space<semaphore_mem>>) src(%arg9 : memref<104x128xf32, #tpu.memory_space<vmem>>) dst(%dma_wait3A_74 : memref<104x128xf32, #tpu.memory_space<vmem_shared>>)
      tpu.yield
    }) : () -> ()
    %eq3A = arith.constant 0 : i32
    %eq3A_31 = arith.cmpi eq, %arg1, %eq3A : i32
    %convert_element_type3A = arith.extui %eq3A_31 : i1 to i32
    %cond3A = arith.constant 0 : i32
    %cond3A_32 = arith.cmpi ne, %convert_element_type3A, %cond3A : i32
    scf.if %cond3A_32 {
      "tpu.region"() ({
        %run_scoped3A = tpu.sem_alloc : memref<!tpu.dma_semaphore, #tpu.memory_space<semaphore_mem>>
        %dma_start3A = arith.constant 0 : i32
        %dma_start3A_69 = arith.constant 0 : i32
        %dma_start3A_70 = tpu.memref_slice %arg9[%dma_start3A, %dma_start3A_69] : memref<104x128xf32, #tpu.memory_space<vmem>> -> memref<16x128xf32, #tpu.memory_space<vmem>>
        %dma_start3A_71 = arith.constant 9984 : i32
        %dma_start3A_72 = arith.constant 0 : i32
        %dma_start3A_73 = tpu.memref_slice %arg11[%dma_start3A_71, %dma_start3A_72] : memref<10000x128xf32, #tpu.memory_space<vmem_shared>> -> memref<16x128xf32, #tpu.memory_space<vmem_shared>>
        %dma_start3A_74 = arith.constant 9984 : i32
        %dma_start3A_75 = arith.constant 0 : i32
        %dma_start3A_76 = tpu.memref_slice %arg11[%dma_start3A_74, %dma_start3A_75] : memref<10000x128xf32, #tpu.memory_space<vmem_shared>> -> memref<16x128xf32, #tpu.memory_space<vmem_shared>>
        %dma_start3A_77 = arith.constant 0 : i32
        %dma_start3A_78 = arith.constant 0 : i32
        %dma_start3A_79 = tpu.memref_slice %arg9[%dma_start3A_77, %dma_start3A_78] : memref<104x128xf32, #tpu.memory_space<vmem>> -> memref<16x128xf32, #tpu.memory_space<vmem>>
        tpu.enqueue_dma source(%dma_start3A_79 : memref<16x128xf32, #tpu.memory_space<vmem>>) target(%dma_start3A_76 : memref<16x128xf32, #tpu.memory_space<vmem_shared>>) target_semaphore(%run_scoped3A : memref<!tpu.dma_semaphore, #tpu.memory_space<semaphore_mem>>)
        %dma_wait3A = arith.constant 0 : i32
        %dma_wait3A_80 = arith.constant 0 : i32
        %dma_wait3A_81 = tpu.memref_slice %arg9[%dma_wait3A, %dma_wait3A_80] : memref<104x128xf32, #tpu.memory_space<vmem>> -> memref<16x128xf32, #tpu.memory_space<vmem>>
        %dma_wait3A_82 = arith.constant 9984 : i32
        %dma_wait3A_83 = arith.constant 0 : i32
        %dma_wait3A_84 = tpu.memref_slice %arg11[%dma_wait3A_82, %dma_wait3A_83] : memref<10000x128xf32, #tpu.memory_space<vmem_shared>> -> memref<16x128xf32, #tpu.memory_space<vmem_shared>>
        %dma_wait3A_85 = arith.constant 9984 : i32
        %dma_wait3A_86 = arith.constant 0 : i32
        %dma_wait3A_87 = tpu.memref_slice %arg11[%dma_wait3A_85, %dma_wait3A_86] : memref<10000x128xf32, #tpu.memory_space<vmem_shared>> -> memref<16x128xf32, #tpu.memory_space<vmem_shared>>
        %dma_wait3A_88 = arith.constant 0 : i32
        %dma_wait3A_89 = arith.constant 0 : i32
        %dma_wait3A_90 = tpu.memref_slice %arg9[%dma_wait3A_88, %dma_wait3A_89] : memref<104x128xf32, #tpu.memory_space<vmem>> -> memref<16x128xf32, #tpu.memory_space<vmem>>
        tpu.wait_dma2 semaphore(%run_scoped3A : memref<!tpu.dma_semaphore, #tpu.memory_space<semaphore_mem>>) src(%dma_wait3A_90 : memref<16x128xf32, #tpu.memory_space<vmem>>) dst(%dma_wait3A_87 : memref<16x128xf32, #tpu.memory_space<vmem_shared>>)
        tpu.yield
      }) : () -> ()
    } else {
    }
    %barrier3A = arith.constant 0 : index
    tpu.barrier barrier_id(%barrier3A)
    %scan3A_33 = arith.constant 0 : i32
    %scan3A_34 = arith.constant 0 : i32
    %scan3A_35 = arith.constant 125 : i32
    %scan3A_36 = arith.addi %scan3A_34, %scan3A_35 : i32
    %scan3A_37 = arith.constant 1 : i32
    scf.for %scan3A_69 = %scan3A_34 to %scan3A_36 step %scan3A_37  : i32 {
      %mul3A_70 = arith.constant 10000 : i32
      %mul3A_71 = arith.muli %add3A, %mul3A_70 : i32
      %mul3A_72 = arith.constant 80 : i32
      %mul3A_73 = arith.muli %scan3A_69, %mul3A_72 : i32
      %add3A_74 = arith.addi %mul3A_71, %mul3A_73 : i32
      "tpu.region"() ({
        %run_scoped3A = tpu.sem_alloc : memref<!tpu.dma_semaphore, #tpu.memory_space<semaphore_mem>>
        %dma_start3A_79 = tpu.memref_slice %arg3[%add3A_74] : memref<320000xi32, #tpu.memory_space<hbm>> -> memref<80xi32, #tpu.memory_space<hbm>>
        %dma_start3A_80 = tpu.memref_slice %arg3[%add3A_74] : memref<320000xi32, #tpu.memory_space<hbm>> -> memref<80xi32, #tpu.memory_space<hbm>>
        tpu.enqueue_dma source(%dma_start3A_80 : memref<80xi32, #tpu.memory_space<hbm>>) target(%arg6 : memref<80xi32, #tpu.memory_space<vmem>>) target_semaphore(%run_scoped3A : memref<!tpu.dma_semaphore, #tpu.memory_space<semaphore_mem>>)
        %dma_wait3A_81 = tpu.memref_slice %arg3[%add3A_74] : memref<320000xi32, #tpu.memory_space<hbm>> -> memref<80xi32, #tpu.memory_space<hbm>>
        %dma_wait3A_82 = tpu.memref_slice %arg3[%add3A_74] : memref<320000xi32, #tpu.memory_space<hbm>> -> memref<80xi32, #tpu.memory_space<hbm>>
        tpu.wait_dma2 semaphore(%run_scoped3A : memref<!tpu.dma_semaphore, #tpu.memory_space<semaphore_mem>>) src(%dma_wait3A_82 : memref<80xi32, #tpu.memory_space<hbm>>) dst(%arg6 : memref<80xi32, #tpu.memory_space<vmem>>)
        tpu.yield
      }) : () -> ()
      "tpu.region"() ({
        %run_scoped3A = tpu.sem_alloc : memref<!tpu.dma_semaphore, #tpu.memory_space<semaphore_mem>>
        %dma_start3A_79 = tpu.memref_slice %arg4[%add3A_74] : memref<320000xi32, #tpu.memory_space<hbm>> -> memref<80xi32, #tpu.memory_space<hbm>>
        %dma_start3A_80 = tpu.memref_slice %arg4[%add3A_74] : memref<320000xi32, #tpu.memory_space<hbm>> -> memref<80xi32, #tpu.memory_space<hbm>>
        tpu.enqueue_dma source(%dma_start3A_80 : memref<80xi32, #tpu.memory_space<hbm>>) target(%arg7 : memref<80xi32, #tpu.memory_space<vmem>>) target_semaphore(%run_scoped3A : memref<!tpu.dma_semaphore, #tpu.memory_space<semaphore_mem>>)
        %dma_wait3A_81 = tpu.memref_slice %arg4[%add3A_74] : memref<320000xi32, #tpu.memory_space<hbm>> -> memref<80xi32, #tpu.memory_space<hbm>>
        %dma_wait3A_82 = tpu.memref_slice %arg4[%add3A_74] : memref<320000xi32, #tpu.memory_space<hbm>> -> memref<80xi32, #tpu.memory_space<hbm>>
        tpu.wait_dma2 semaphore(%run_scoped3A : memref<!tpu.dma_semaphore, #tpu.memory_space<semaphore_mem>>) src(%dma_wait3A_82 : memref<80xi32, #tpu.memory_space<hbm>>) dst(%arg7 : memref<80xi32, #tpu.memory_space<vmem>>)
        tpu.yield
      }) : () -> ()
      %dma_start3A = arith.constant 0 : i32
      %dma_start3A_75 = arith.constant 0 : i32
      %dma_start3A_76 = tpu.memref_slice %arg2[%dma_start3A, %dma_start3A_75] : memref<10000x128xf32, #tpu.memory_space<hbm>> -> memref<10000x128xf32, #tpu.memory_space<hbm>>
      tpu.enqueue_indirect_dma source(%dma_start3A_76 : memref<10000x128xf32, #tpu.memory_space<hbm>>) target(%arg8 : memref<80x128xf32, #tpu.memory_space<vmem>>) offsets(%arg6 : memref<80xi32, #tpu.memory_space<vmem>>) semaphore(%arg10 : memref<!tpu.dma_semaphore, #tpu.memory_space<semaphore_mem>>)
      %dma_wait3A = arith.constant 0 : i32
      %dma_wait3A_77 = arith.constant 0 : i32
      %dma_wait3A_78 = tpu.memref_slice %arg2[%dma_wait3A, %dma_wait3A_77] : memref<10000x128xf32, #tpu.memory_space<hbm>> -> memref<10000x128xf32, #tpu.memory_space<hbm>>
      tpu.wait_indirect_dma semaphore(%arg10 : memref<!tpu.dma_semaphore, #tpu.memory_space<semaphore_mem>>) src(%dma_wait3A_78 : memref<10000x128xf32, #tpu.memory_space<hbm>>) dst(%arg8 : memref<80x128xf32, #tpu.memory_space<vmem>>)
      "tpu.region"() ({
        %run_scoped3A = tpu.sem_alloc : memref<!tpu.dma_semaphore, #tpu.memory_space<semaphore_mem>>
        %dma_start3A_79 = arith.constant 0 : i32
        %dma_start3A_80 = arith.constant 0 : i32
        %dma_start3A_81 = tpu.memref_slice %arg11[%dma_start3A_79, %dma_start3A_80] : memref<10000x128xf32, #tpu.memory_space<vmem_shared>> -> memref<10000x128xf32, #tpu.memory_space<vmem_shared>>
        tpu.enqueue_indirect_dma source(%arg8 : memref<80x128xf32, #tpu.memory_space<vmem>>) target(%dma_start3A_81 : memref<10000x128xf32, #tpu.memory_space<vmem_shared>>) offsets(%arg7 : memref<80xi32, #tpu.memory_space<vmem>>) semaphore(%run_scoped3A : memref<!tpu.dma_semaphore, #tpu.memory_space<semaphore_mem>>) {add = true}
        %dma_wait3A_82 = arith.constant 0 : i32
        %dma_wait3A_83 = arith.constant 0 : i32
        %dma_wait3A_84 = tpu.memref_slice %arg11[%dma_wait3A_82, %dma_wait3A_83] : memref<10000x128xf32, #tpu.memory_space<vmem_shared>> -> memref<10000x128xf32, #tpu.memory_space<vmem_shared>>
        tpu.wait_indirect_dma semaphore(%run_scoped3A : memref<!tpu.dma_semaphore, #tpu.memory_space<semaphore_mem>>) src(%arg8 : memref<80x128xf32, #tpu.memory_space<vmem>>) dst(%dma_wait3A_84 : memref<10000x128xf32, #tpu.memory_space<vmem_shared>>)
        tpu.yield
      }) : () -> ()
    }
    %scan3A_38 = arith.constant 125 : i32
    %barrier3A_39 = arith.constant 0 : index
    tpu.barrier barrier_id(%barrier3A_39)
    %mul3A_40 = arith.constant 624 : i32
    %mul3A_41 = arith.muli %arg1, %mul3A_40 : i32
    %add3A_42 = arith.constant 0 : i32
    %add3A_43 = arith.addi %mul3A_41, %add3A_42 : i32
    "tpu.region"() ({
      %run_scoped3A = tpu.sem_alloc : memref<!tpu.dma_semaphore, #tpu.memory_space<semaphore_mem>>
      %dma_start3A = arith.constant 0 : i32
      %dma_start3A_69 = tpu.memref_slice %arg11[%add3A_43, %dma_start3A] : memref<10000x128xf32, #tpu.memory_space<vmem_shared>> -> memref<104x128xf32, #tpu.memory_space<vmem_shared>>
      %dma_start3A_70 = arith.constant 0 : i32
      %dma_start3A_71 = tpu.memref_slice %arg11[%add3A_43, %dma_start3A_70] : memref<10000x128xf32, #tpu.memory_space<vmem_shared>> -> memref<104x128xf32, #tpu.memory_space<vmem_shared>>
      tpu.enqueue_dma source(%dma_start3A_71 : memref<104x128xf32, #tpu.memory_space<vmem_shared>>) target(%arg9 : memref<104x128xf32, #tpu.memory_space<vmem>>) target_semaphore(%run_scoped3A : memref<!tpu.dma_semaphore, #tpu.memory_space<semaphore_mem>>)
      %dma_wait3A = arith.constant 0 : i32
      %dma_wait3A_72 = tpu.memref_slice %arg11[%add3A_43, %dma_wait3A] : memref<10000x128xf32, #tpu.memory_space<vmem_shared>> -> memref<104x128xf32, #tpu.memory_space<vmem_shared>>
      %dma_wait3A_73 = arith.constant 0 : i32
      %dma_wait3A_74 = tpu.memref_slice %arg11[%add3A_43, %dma_wait3A_73] : memref<10000x128xf32, #tpu.memory_space<vmem_shared>> -> memref<104x128xf32, #tpu.memory_space<vmem_shared>>
      tpu.wait_dma2 semaphore(%run_scoped3A : memref<!tpu.dma_semaphore, #tpu.memory_space<semaphore_mem>>) src(%dma_wait3A_74 : memref<104x128xf32, #tpu.memory_space<vmem_shared>>) dst(%arg9 : memref<104x128xf32, #tpu.memory_space<vmem>>)
      tpu.yield
    }) : () -> ()
    "tpu.region"() ({
      %run_scoped3A = tpu.sem_alloc : memref<!tpu.dma_semaphore, #tpu.memory_space<semaphore_mem>>
      %dma_start3A = arith.constant 0 : i32
      %dma_start3A_69 = tpu.memref_slice %arg5[%arg0, %add3A_43, %dma_start3A] : memref<2x10000x128xf32, #tpu.memory_space<hbm>> -> memref<1x104x128xf32, #tpu.memory_space<hbm>>
      %dma_start3A_70 = tpu.memref_squeeze %dma_start3A_69 : memref<1x104x128xf32, #tpu.memory_space<hbm>> -> memref<104x128xf32, #tpu.memory_space<hbm>>
      %dma_start3A_71 = arith.constant 0 : i32
      %dma_start3A_72 = tpu.memref_slice %arg5[%arg0, %add3A_43, %dma_start3A_71] : memref<2x10000x128xf32, #tpu.memory_space<hbm>> -> memref<1x104x128xf32, #tpu.memory_space<hbm>>
      %dma_start3A_73 = tpu.memref_squeeze %dma_start3A_72 : memref<1x104x128xf32, #tpu.memory_space<hbm>> -> memref<104x128xf32, #tpu.memory_space<hbm>>
      tpu.enqueue_dma source(%arg9 : memref<104x128xf32, #tpu.memory_space<vmem>>) target(%dma_start3A_73 : memref<104x128xf32, #tpu.memory_space<hbm>>) target_semaphore(%run_scoped3A : memref<!tpu.dma_semaphore, #tpu.memory_space<semaphore_mem>>)
      %dma_wait3A = arith.constant 0 : i32
      %dma_wait3A_74 = tpu.memref_slice %arg5[%arg0, %add3A_43, %dma_wait3A] : memref<2x10000x128xf32, #tpu.memory_space<hbm>> -> memref<1x104x128xf32, #tpu.memory_space<hbm>>
      %dma_wait3A_75 = tpu.memref_squeeze %dma_wait3A_74 : memref<1x104x128xf32, #tpu.memory_space<hbm>> -> memref<104x128xf32, #tpu.memory_space<hbm>>
      %dma_wait3A_76 = arith.constant 0 : i32
      %dma_wait3A_77 = tpu.memref_slice %arg5[%arg0, %add3A_43, %dma_wait3A_76] : memref<2x10000x128xf32, #tpu.memory_space<hbm>> -> memref<1x104x128xf32, #tpu.memory_space<hbm>>
      %dma_wait3A_78 = tpu.memref_squeeze %dma_wait3A_77 : memref<1x104x128xf32, #tpu.memory_space<hbm>> -> memref<104x128xf32, #tpu.memory_space<hbm>>
      tpu.wait_dma2 semaphore(%run_scoped3A : memref<!tpu.dma_semaphore, #tpu.memory_space<semaphore_mem>>) src(%arg9 : memref<104x128xf32, #tpu.memory_space<vmem>>) dst(%dma_wait3A_78 : memref<104x128xf32, #tpu.memory_space<hbm>>)
      tpu.yield
    }) : () -> ()
    %mul3A_44 = arith.constant 624 : i32
    %mul3A_45 = arith.muli %arg1, %mul3A_44 : i32
    %add3A_46 = arith.constant 104 : i32
    %add3A_47 = arith.addi %mul3A_45, %add3A_46 : i32
    "tpu.region"() ({
      %run_scoped3A = tpu.sem_alloc : memref<!tpu.dma_semaphore, #tpu.memory_space<semaphore_mem>>
      %dma_start3A = arith.constant 0 : i32
      %dma_start3A_69 = tpu.memref_slice %arg11[%add3A_47, %dma_start3A] : memref<10000x128xf32, #tpu.memory_space<vmem_shared>> -> memref<104x128xf32, #tpu.memory_space<vmem_shared>>
      %dma_start3A_70 = arith.constant 0 : i32
      %dma_start3A_71 = tpu.memref_slice %arg11[%add3A_47, %dma_start3A_70] : memref<10000x128xf32, #tpu.memory_space<vmem_shared>> -> memref<104x128xf32, #tpu.memory_space<vmem_shared>>
      tpu.enqueue_dma source(%dma_start3A_71 : memref<104x128xf32, #tpu.memory_space<vmem_shared>>) target(%arg9 : memref<104x128xf32, #tpu.memory_space<vmem>>) target_semaphore(%run_scoped3A : memref<!tpu.dma_semaphore, #tpu.memory_space<semaphore_mem>>)
      %dma_wait3A = arith.constant 0 : i32
      %dma_wait3A_72 = tpu.memref_slice %arg11[%add3A_47, %dma_wait3A] : memref<10000x128xf32, #tpu.memory_space<vmem_shared>> -> memref<104x128xf32, #tpu.memory_space<vmem_shared>>
      %dma_wait3A_73 = arith.constant 0 : i32
      %dma_wait3A_74 = tpu.memref_slice %arg11[%add3A_47, %dma_wait3A_73] : memref<10000x128xf32, #tpu.memory_space<vmem_shared>> -> memref<104x128xf32, #tpu.memory_space<vmem_shared>>
      tpu.wait_dma2 semaphore(%run_scoped3A : memref<!tpu.dma_semaphore, #tpu.memory_space<semaphore_mem>>) src(%dma_wait3A_74 : memref<104x128xf32, #tpu.memory_space<vmem_shared>>) dst(%arg9 : memref<104x128xf32, #tpu.memory_space<vmem>>)
      tpu.yield
    }) : () -> ()
    "tpu.region"() ({
      %run_scoped3A = tpu.sem_alloc : memref<!tpu.dma_semaphore, #tpu.memory_space<semaphore_mem>>
      %dma_start3A = arith.constant 0 : i32
      %dma_start3A_69 = tpu.memref_slice %arg5[%arg0, %add3A_47, %dma_start3A] : memref<2x10000x128xf32, #tpu.memory_space<hbm>> -> memref<1x104x128xf32, #tpu.memory_space<hbm>>
      %dma_start3A_70 = tpu.memref_squeeze %dma_start3A_69 : memref<1x104x128xf32, #tpu.memory_space<hbm>> -> memref<104x128xf32, #tpu.memory_space<hbm>>
      %dma_start3A_71 = arith.constant 0 : i32
      %dma_start3A_72 = tpu.memref_slice %arg5[%arg0, %add3A_47, %dma_start3A_71] : memref<2x10000x128xf32, #tpu.memory_space<hbm>> -> memref<1x104x128xf32, #tpu.memory_space<hbm>>
      %dma_start3A_73 = tpu.memref_squeeze %dma_start3A_72 : memref<1x104x128xf32, #tpu.memory_space<hbm>> -> memref<104x128xf32, #tpu.memory_space<hbm>>
      tpu.enqueue_dma source(%arg9 : memref<104x128xf32, #tpu.memory_space<vmem>>) target(%dma_start3A_73 : memref<104x128xf32, #tpu.memory_space<hbm>>) target_semaphore(%run_scoped3A : memref<!tpu.dma_semaphore, #tpu.memory_space<semaphore_mem>>)
      %dma_wait3A = arith.constant 0 : i32
      %dma_wait3A_74 = tpu.memref_slice %arg5[%arg0, %add3A_47, %dma_wait3A] : memref<2x10000x128xf32, #tpu.memory_space<hbm>> -> memref<1x104x128xf32, #tpu.memory_space<hbm>>
      %dma_wait3A_75 = tpu.memref_squeeze %dma_wait3A_74 : memref<1x104x128xf32, #tpu.memory_space<hbm>> -> memref<104x128xf32, #tpu.memory_space<hbm>>
      %dma_wait3A_76 = arith.constant 0 : i32
      %dma_wait3A_77 = tpu.memref_slice %arg5[%arg0, %add3A_47, %dma_wait3A_76] : memref<2x10000x128xf32, #tpu.memory_space<hbm>> -> memref<1x104x128xf32, #tpu.memory_space<hbm>>
      %dma_wait3A_78 = tpu.memref_squeeze %dma_wait3A_77 : memref<1x104x128xf32, #tpu.memory_space<hbm>> -> memref<104x128xf32, #tpu.memory_space<hbm>>
      tpu.wait_dma2 semaphore(%run_scoped3A : memref<!tpu.dma_semaphore, #tpu.memory_space<semaphore_mem>>) src(%arg9 : memref<104x128xf32, #tpu.memory_space<vmem>>) dst(%dma_wait3A_78 : memref<104x128xf32, #tpu.memory_space<hbm>>)
      tpu.yield
    }) : () -> ()
    %mul3A_48 = arith.constant 624 : i32
    %mul3A_49 = arith.muli %arg1, %mul3A_48 : i32
    %add3A_50 = arith.constant 208 : i32
    %add3A_51 = arith.addi %mul3A_49, %add3A_50 : i32
    "tpu.region"() ({
      %run_scoped3A = tpu.sem_alloc : memref<!tpu.dma_semaphore, #tpu.memory_space<semaphore_mem>>
      %dma_start3A = arith.constant 0 : i32
      %dma_start3A_69 = tpu.memref_slice %arg11[%add3A_51, %dma_start3A] : memref<10000x128xf32, #tpu.memory_space<vmem_shared>> -> memref<104x128xf32, #tpu.memory_space<vmem_shared>>
      %dma_start3A_70 = arith.constant 0 : i32
      %dma_start3A_71 = tpu.memref_slice %arg11[%add3A_51, %dma_start3A_70] : memref<10000x128xf32, #tpu.memory_space<vmem_shared>> -> memref<104x128xf32, #tpu.memory_space<vmem_shared>>
      tpu.enqueue_dma source(%dma_start3A_71 : memref<104x128xf32, #tpu.memory_space<vmem_shared>>) target(%arg9 : memref<104x128xf32, #tpu.memory_space<vmem>>) target_semaphore(%run_scoped3A : memref<!tpu.dma_semaphore, #tpu.memory_space<semaphore_mem>>)
      %dma_wait3A = arith.constant 0 : i32
      %dma_wait3A_72 = tpu.memref_slice %arg11[%add3A_51, %dma_wait3A] : memref<10000x128xf32, #tpu.memory_space<vmem_shared>> -> memref<104x128xf32, #tpu.memory_space<vmem_shared>>
      %dma_wait3A_73 = arith.constant 0 : i32
      %dma_wait3A_74 = tpu.memref_slice %arg11[%add3A_51, %dma_wait3A_73] : memref<10000x128xf32, #tpu.memory_space<vmem_shared>> -> memref<104x128xf32, #tpu.memory_space<vmem_shared>>
      tpu.wait_dma2 semaphore(%run_scoped3A : memref<!tpu.dma_semaphore, #tpu.memory_space<semaphore_mem>>) src(%dma_wait3A_74 : memref<104x128xf32, #tpu.memory_space<vmem_shared>>) dst(%arg9 : memref<104x128xf32, #tpu.memory_space<vmem>>)
      tpu.yield
    }) : () -> ()
    "tpu.region"() ({
      %run_scoped3A = tpu.sem_alloc : memref<!tpu.dma_semaphore, #tpu.memory_space<semaphore_mem>>
      %dma_start3A = arith.constant 0 : i32
      %dma_start3A_69 = tpu.memref_slice %arg5[%arg0, %add3A_51, %dma_start3A] : memref<2x10000x128xf32, #tpu.memory_space<hbm>> -> memref<1x104x128xf32, #tpu.memory_space<hbm>>
      %dma_start3A_70 = tpu.memref_squeeze %dma_start3A_69 : memref<1x104x128xf32, #tpu.memory_space<hbm>> -> memref<104x128xf32, #tpu.memory_space<hbm>>
      %dma_start3A_71 = arith.constant 0 : i32
      %dma_start3A_72 = tpu.memref_slice %arg5[%arg0, %add3A_51, %dma_start3A_71] : memref<2x10000x128xf32, #tpu.memory_space<hbm>> -> memref<1x104x128xf32, #tpu.memory_space<hbm>>
      %dma_start3A_73 = tpu.memref_squeeze %dma_start3A_72 : memref<1x104x128xf32, #tpu.memory_space<hbm>> -> memref<104x128xf32, #tpu.memory_space<hbm>>
      tpu.enqueue_dma source(%arg9 : memref<104x128xf32, #tpu.memory_space<vmem>>) target(%dma_start3A_73 : memref<104x128xf32, #tpu.memory_space<hbm>>) target_semaphore(%run_scoped3A : memref<!tpu.dma_semaphore, #tpu.memory_space<semaphore_mem>>)
      %dma_wait3A = arith.constant 0 : i32
      %dma_wait3A_74 = tpu.memref_slice %arg5[%arg0, %add3A_51, %dma_wait3A] : memref<2x10000x128xf32, #tpu.memory_space<hbm>> -> memref<1x104x128xf32, #tpu.memory_space<hbm>>
      %dma_wait3A_75 = tpu.memref_squeeze %dma_wait3A_74 : memref<1x104x128xf32, #tpu.memory_space<hbm>> -> memref<104x128xf32, #tpu.memory_space<hbm>>
      %dma_wait3A_76 = arith.constant 0 : i32
      %dma_wait3A_77 = tpu.memref_slice %arg5[%arg0, %add3A_51, %dma_wait3A_76] : memref<2x10000x128xf32, #tpu.memory_space<hbm>> -> memref<1x104x128xf32, #tpu.memory_space<hbm>>
      %dma_wait3A_78 = tpu.memref_squeeze %dma_wait3A_77 : memref<1x104x128xf32, #tpu.memory_space<hbm>> -> memref<104x128xf32, #tpu.memory_space<hbm>>
      tpu.wait_dma2 semaphore(%run_scoped3A : memref<!tpu.dma_semaphore, #tpu.memory_space<semaphore_mem>>) src(%arg9 : memref<104x128xf32, #tpu.memory_space<vmem>>) dst(%dma_wait3A_78 : memref<104x128xf32, #tpu.memory_space<hbm>>)
      tpu.yield
    }) : () -> ()
    %mul3A_52 = arith.constant 624 : i32
    %mul3A_53 = arith.muli %arg1, %mul3A_52 : i32
    %add3A_54 = arith.constant 312 : i32
    %add3A_55 = arith.addi %mul3A_53, %add3A_54 : i32
    "tpu.region"() ({
      %run_scoped3A = tpu.sem_alloc : memref<!tpu.dma_semaphore, #tpu.memory_space<semaphore_mem>>
      %dma_start3A = arith.constant 0 : i32
      %dma_start3A_69 = tpu.memref_slice %arg11[%add3A_55, %dma_start3A] : memref<10000x128xf32, #tpu.memory_space<vmem_shared>> -> memref<104x128xf32, #tpu.memory_space<vmem_shared>>
      %dma_start3A_70 = arith.constant 0 : i32
      %dma_start3A_71 = tpu.memref_slice %arg11[%add3A_55, %dma_start3A_70] : memref<10000x128xf32, #tpu.memory_space<vmem_shared>> -> memref<104x128xf32, #tpu.memory_space<vmem_shared>>
      tpu.enqueue_dma source(%dma_start3A_71 : memref<104x128xf32, #tpu.memory_space<vmem_shared>>) target(%arg9 : memref<104x128xf32, #tpu.memory_space<vmem>>) target_semaphore(%run_scoped3A : memref<!tpu.dma_semaphore, #tpu.memory_space<semaphore_mem>>)
      %dma_wait3A = arith.constant 0 : i32
      %dma_wait3A_72 = tpu.memref_slice %arg11[%add3A_55, %dma_wait3A] : memref<10000x128xf32, #tpu.memory_space<vmem_shared>> -> memref<104x128xf32, #tpu.memory_space<vmem_shared>>
      %dma_wait3A_73 = arith.constant 0 : i32
      %dma_wait3A_74 = tpu.memref_slice %arg11[%add3A_55, %dma_wait3A_73] : memref<10000x128xf32, #tpu.memory_space<vmem_shared>> -> memref<104x128xf32, #tpu.memory_space<vmem_shared>>
      tpu.wait_dma2 semaphore(%run_scoped3A : memref<!tpu.dma_semaphore, #tpu.memory_space<semaphore_mem>>) src(%dma_wait3A_74 : memref<104x128xf32, #tpu.memory_space<vmem_shared>>) dst(%arg9 : memref<104x128xf32, #tpu.memory_space<vmem>>)
      tpu.yield
    }) : () -> ()
    "tpu.region"() ({
      %run_scoped3A = tpu.sem_alloc : memref<!tpu.dma_semaphore, #tpu.memory_space<semaphore_mem>>
      %dma_start3A = arith.constant 0 : i32
      %dma_start3A_69 = tpu.memref_slice %arg5[%arg0, %add3A_55, %dma_start3A] : memref<2x10000x128xf32, #tpu.memory_space<hbm>> -> memref<1x104x128xf32, #tpu.memory_space<hbm>>
      %dma_start3A_70 = tpu.memref_squeeze %dma_start3A_69 : memref<1x104x128xf32, #tpu.memory_space<hbm>> -> memref<104x128xf32, #tpu.memory_space<hbm>>
      %dma_start3A_71 = arith.constant 0 : i32
      %dma_start3A_72 = tpu.memref_slice %arg5[%arg0, %add3A_55, %dma_start3A_71] : memref<2x10000x128xf32, #tpu.memory_space<hbm>> -> memref<1x104x128xf32, #tpu.memory_space<hbm>>
      %dma_start3A_73 = tpu.memref_squeeze %dma_start3A_72 : memref<1x104x128xf32, #tpu.memory_space<hbm>> -> memref<104x128xf32, #tpu.memory_space<hbm>>
      tpu.enqueue_dma source(%arg9 : memref<104x128xf32, #tpu.memory_space<vmem>>) target(%dma_start3A_73 : memref<104x128xf32, #tpu.memory_space<hbm>>) target_semaphore(%run_scoped3A : memref<!tpu.dma_semaphore, #tpu.memory_space<semaphore_mem>>)
      %dma_wait3A = arith.constant 0 : i32
      %dma_wait3A_74 = tpu.memref_slice %arg5[%arg0, %add3A_55, %dma_wait3A] : memref<2x10000x128xf32, #tpu.memory_space<hbm>> -> memref<1x104x128xf32, #tpu.memory_space<hbm>>
      %dma_wait3A_75 = tpu.memref_squeeze %dma_wait3A_74 : memref<1x104x128xf32, #tpu.memory_space<hbm>> -> memref<104x128xf32, #tpu.memory_space<hbm>>
      %dma_wait3A_76 = arith.constant 0 : i32
      %dma_wait3A_77 = tpu.memref_slice %arg5[%arg0, %add3A_55, %dma_wait3A_76] : memref<2x10000x128xf32, #tpu.memory_space<hbm>> -> memref<1x104x128xf32, #tpu.memory_space<hbm>>
      %dma_wait3A_78 = tpu.memref_squeeze %dma_wait3A_77 : memref<1x104x128xf32, #tpu.memory_space<hbm>> -> memref<104x128xf32, #tpu.memory_space<hbm>>
      tpu.wait_dma2 semaphore(%run_scoped3A : memref<!tpu.dma_semaphore, #tpu.memory_space<semaphore_mem>>) src(%arg9 : memref<104x128xf32, #tpu.memory_space<vmem>>) dst(%dma_wait3A_78 : memref<104x128xf32, #tpu.memory_space<hbm>>)
      tpu.yield
    }) : () -> ()
    %mul3A_56 = arith.constant 624 : i32
    %mul3A_57 = arith.muli %arg1, %mul3A_56 : i32
    %add3A_58 = arith.constant 416 : i32
    %add3A_59 = arith.addi %mul3A_57, %add3A_58 : i32
    "tpu.region"() ({
      %run_scoped3A = tpu.sem_alloc : memref<!tpu.dma_semaphore, #tpu.memory_space<semaphore_mem>>
      %dma_start3A = arith.constant 0 : i32
      %dma_start3A_69 = tpu.memref_slice %arg11[%add3A_59, %dma_start3A] : memref<10000x128xf32, #tpu.memory_space<vmem_shared>> -> memref<104x128xf32, #tpu.memory_space<vmem_shared>>
      %dma_start3A_70 = arith.constant 0 : i32
      %dma_start3A_71 = tpu.memref_slice %arg11[%add3A_59, %dma_start3A_70] : memref<10000x128xf32, #tpu.memory_space<vmem_shared>> -> memref<104x128xf32, #tpu.memory_space<vmem_shared>>
      tpu.enqueue_dma source(%dma_start3A_71 : memref<104x128xf32, #tpu.memory_space<vmem_shared>>) target(%arg9 : memref<104x128xf32, #tpu.memory_space<vmem>>) target_semaphore(%run_scoped3A : memref<!tpu.dma_semaphore, #tpu.memory_space<semaphore_mem>>)
      %dma_wait3A = arith.constant 0 : i32
      %dma_wait3A_72 = tpu.memref_slice %arg11[%add3A_59, %dma_wait3A] : memref<10000x128xf32, #tpu.memory_space<vmem_shared>> -> memref<104x128xf32, #tpu.memory_space<vmem_shared>>
      %dma_wait3A_73 = arith.constant 0 : i32
      %dma_wait3A_74 = tpu.memref_slice %arg11[%add3A_59, %dma_wait3A_73] : memref<10000x128xf32, #tpu.memory_space<vmem_shared>> -> memref<104x128xf32, #tpu.memory_space<vmem_shared>>
      tpu.wait_dma2 semaphore(%run_scoped3A : memref<!tpu.dma_semaphore, #tpu.memory_space<semaphore_mem>>) src(%dma_wait3A_74 : memref<104x128xf32, #tpu.memory_space<vmem_shared>>) dst(%arg9 : memref<104x128xf32, #tpu.memory_space<vmem>>)
      tpu.yield
    }) : () -> ()
    "tpu.region"() ({
      %run_scoped3A = tpu.sem_alloc : memref<!tpu.dma_semaphore, #tpu.memory_space<semaphore_mem>>
      %dma_start3A = arith.constant 0 : i32
      %dma_start3A_69 = tpu.memref_slice %arg5[%arg0, %add3A_59, %dma_start3A] : memref<2x10000x128xf32, #tpu.memory_space<hbm>> -> memref<1x104x128xf32, #tpu.memory_space<hbm>>
      %dma_start3A_70 = tpu.memref_squeeze %dma_start3A_69 : memref<1x104x128xf32, #tpu.memory_space<hbm>> -> memref<104x128xf32, #tpu.memory_space<hbm>>
      %dma_start3A_71 = arith.constant 0 : i32
      %dma_start3A_72 = tpu.memref_slice %arg5[%arg0, %add3A_59, %dma_start3A_71] : memref<2x10000x128xf32, #tpu.memory_space<hbm>> -> memref<1x104x128xf32, #tpu.memory_space<hbm>>
      %dma_start3A_73 = tpu.memref_squeeze %dma_start3A_72 : memref<1x104x128xf32, #tpu.memory_space<hbm>> -> memref<104x128xf32, #tpu.memory_space<hbm>>
      tpu.enqueue_dma source(%arg9 : memref<104x128xf32, #tpu.memory_space<vmem>>) target(%dma_start3A_73 : memref<104x128xf32, #tpu.memory_space<hbm>>) target_semaphore(%run_scoped3A : memref<!tpu.dma_semaphore, #tpu.memory_space<semaphore_mem>>)
      %dma_wait3A = arith.constant 0 : i32
      %dma_wait3A_74 = tpu.memref_slice %arg5[%arg0, %add3A_59, %dma_wait3A] : memref<2x10000x128xf32, #tpu.memory_space<hbm>> -> memref<1x104x128xf32, #tpu.memory_space<hbm>>
      %dma_wait3A_75 = tpu.memref_squeeze %dma_wait3A_74 : memref<1x104x128xf32, #tpu.memory_space<hbm>> -> memref<104x128xf32, #tpu.memory_space<hbm>>
      %dma_wait3A_76 = arith.constant 0 : i32
      %dma_wait3A_77 = tpu.memref_slice %arg5[%arg0, %add3A_59, %dma_wait3A_76] : memref<2x10000x128xf32, #tpu.memory_space<hbm>> -> memref<1x104x128xf32, #tpu.memory_space<hbm>>
      %dma_wait3A_78 = tpu.memref_squeeze %dma_wait3A_77 : memref<1x104x128xf32, #tpu.memory_space<hbm>> -> memref<104x128xf32, #tpu.memory_space<hbm>>
      tpu.wait_dma2 semaphore(%run_scoped3A : memref<!tpu.dma_semaphore, #tpu.memory_space<semaphore_mem>>) src(%arg9 : memref<104x128xf32, #tpu.memory_space<vmem>>) dst(%dma_wait3A_78 : memref<104x128xf32, #tpu.memory_space<hbm>>)
      tpu.yield
    }) : () -> ()
    %mul3A_60 = arith.constant 624 : i32
    %mul3A_61 = arith.muli %arg1, %mul3A_60 : i32
    %add3A_62 = arith.constant 520 : i32
    %add3A_63 = arith.addi %mul3A_61, %add3A_62 : i32
    "tpu.region"() ({
      %run_scoped3A = tpu.sem_alloc : memref<!tpu.dma_semaphore, #tpu.memory_space<semaphore_mem>>
      %dma_start3A = arith.constant 0 : i32
      %dma_start3A_69 = tpu.memref_slice %arg11[%add3A_63, %dma_start3A] : memref<10000x128xf32, #tpu.memory_space<vmem_shared>> -> memref<104x128xf32, #tpu.memory_space<vmem_shared>>
      %dma_start3A_70 = arith.constant 0 : i32
      %dma_start3A_71 = tpu.memref_slice %arg11[%add3A_63, %dma_start3A_70] : memref<10000x128xf32, #tpu.memory_space<vmem_shared>> -> memref<104x128xf32, #tpu.memory_space<vmem_shared>>
      tpu.enqueue_dma source(%dma_start3A_71 : memref<104x128xf32, #tpu.memory_space<vmem_shared>>) target(%arg9 : memref<104x128xf32, #tpu.memory_space<vmem>>) target_semaphore(%run_scoped3A : memref<!tpu.dma_semaphore, #tpu.memory_space<semaphore_mem>>)
      %dma_wait3A = arith.constant 0 : i32
      %dma_wait3A_72 = tpu.memref_slice %arg11[%add3A_63, %dma_wait3A] : memref<10000x128xf32, #tpu.memory_space<vmem_shared>> -> memref<104x128xf32, #tpu.memory_space<vmem_shared>>
      %dma_wait3A_73 = arith.constant 0 : i32
      %dma_wait3A_74 = tpu.memref_slice %arg11[%add3A_63, %dma_wait3A_73] : memref<10000x128xf32, #tpu.memory_space<vmem_shared>> -> memref<104x128xf32, #tpu.memory_space<vmem_shared>>
      tpu.wait_dma2 semaphore(%run_scoped3A : memref<!tpu.dma_semaphore, #tpu.memory_space<semaphore_mem>>) src(%dma_wait3A_74 : memref<104x128xf32, #tpu.memory_space<vmem_shared>>) dst(%arg9 : memref<104x128xf32, #tpu.memory_space<vmem>>)
      tpu.yield
    }) : () -> ()
    "tpu.region"() ({
      %run_scoped3A = tpu.sem_alloc : memref<!tpu.dma_semaphore, #tpu.memory_space<semaphore_mem>>
      %dma_start3A = arith.constant 0 : i32
      %dma_start3A_69 = tpu.memref_slice %arg5[%arg0, %add3A_63, %dma_start3A] : memref<2x10000x128xf32, #tpu.memory_space<hbm>> -> memref<1x104x128xf32, #tpu.memory_space<hbm>>
      %dma_start3A_70 = tpu.memref_squeeze %dma_start3A_69 : memref<1x104x128xf32, #tpu.memory_space<hbm>> -> memref<104x128xf32, #tpu.memory_space<hbm>>
      %dma_start3A_71 = arith.constant 0 : i32
      %dma_start3A_72 = tpu.memref_slice %arg5[%arg0, %add3A_63, %dma_start3A_71] : memref<2x10000x128xf32, #tpu.memory_space<hbm>> -> memref<1x104x128xf32, #tpu.memory_space<hbm>>
      %dma_start3A_73 = tpu.memref_squeeze %dma_start3A_72 : memref<1x104x128xf32, #tpu.memory_space<hbm>> -> memref<104x128xf32, #tpu.memory_space<hbm>>
      tpu.enqueue_dma source(%arg9 : memref<104x128xf32, #tpu.memory_space<vmem>>) target(%dma_start3A_73 : memref<104x128xf32, #tpu.memory_space<hbm>>) target_semaphore(%run_scoped3A : memref<!tpu.dma_semaphore, #tpu.memory_space<semaphore_mem>>)
      %dma_wait3A = arith.constant 0 : i32
      %dma_wait3A_74 = tpu.memref_slice %arg5[%arg0, %add3A_63, %dma_wait3A] : memref<2x10000x128xf32, #tpu.memory_space<hbm>> -> memref<1x104x128xf32, #tpu.memory_space<hbm>>
      %dma_wait3A_75 = tpu.memref_squeeze %dma_wait3A_74 : memref<1x104x128xf32, #tpu.memory_space<hbm>> -> memref<104x128xf32, #tpu.memory_space<hbm>>
      %dma_wait3A_76 = arith.constant 0 : i32
      %dma_wait3A_77 = tpu.memref_slice %arg5[%arg0, %add3A_63, %dma_wait3A_76] : memref<2x10000x128xf32, #tpu.memory_space<hbm>> -> memref<1x104x128xf32, #tpu.memory_space<hbm>>
      %dma_wait3A_78 = tpu.memref_squeeze %dma_wait3A_77 : memref<1x104x128xf32, #tpu.memory_space<hbm>> -> memref<104x128xf32, #tpu.memory_space<hbm>>
      tpu.wait_dma2 semaphore(%run_scoped3A : memref<!tpu.dma_semaphore, #tpu.memory_space<semaphore_mem>>) src(%arg9 : memref<104x128xf32, #tpu.memory_space<vmem>>) dst(%dma_wait3A_78 : memref<104x128xf32, #tpu.memory_space<hbm>>)
      tpu.yield
    }) : () -> ()
    %eq3A_64 = arith.constant 0 : i32
    %eq3A_65 = arith.cmpi eq, %arg1, %eq3A_64 : i32
    %convert_element_type3A_66 = arith.extui %eq3A_65 : i1 to i32
    %cond3A_67 = arith.constant 0 : i32
    %cond3A_68 = arith.cmpi ne, %convert_element_type3A_66, %cond3A_67 : i32
    scf.if %cond3A_68 {
      "tpu.region"() ({
        %run_scoped3A = tpu.sem_alloc : memref<!tpu.dma_semaphore, #tpu.memory_space<semaphore_mem>>
        %dma_start3A = arith.constant 0 : i32
        %dma_start3A_69 = arith.constant 0 : i32
        %dma_start3A_70 = tpu.memref_slice %arg9[%dma_start3A, %dma_start3A_69] : memref<104x128xf32, #tpu.memory_space<vmem>> -> memref<16x128xf32, #tpu.memory_space<vmem>>
        %dma_start3A_71 = arith.constant 9984 : i32
        %dma_start3A_72 = arith.constant 0 : i32
        %dma_start3A_73 = tpu.memref_slice %arg11[%dma_start3A_71, %dma_start3A_72] : memref<10000x128xf32, #tpu.memory_space<vmem_shared>> -> memref<16x128xf32, #tpu.memory_space<vmem_shared>>
        %dma_start3A_74 = arith.constant 0 : i32
        %dma_start3A_75 = arith.constant 0 : i32
        %dma_start3A_76 = tpu.memref_slice %arg9[%dma_start3A_74, %dma_start3A_75] : memref<104x128xf32, #tpu.memory_space<vmem>> -> memref<16x128xf32, #tpu.memory_space<vmem>>
        %dma_start3A_77 = arith.constant 9984 : i32
        %dma_start3A_78 = arith.constant 0 : i32
        %dma_start3A_79 = tpu.memref_slice %arg11[%dma_start3A_77, %dma_start3A_78] : memref<10000x128xf32, #tpu.memory_space<vmem_shared>> -> memref<16x128xf32, #tpu.memory_space<vmem_shared>>
        tpu.enqueue_dma source(%dma_start3A_79 : memref<16x128xf32, #tpu.memory_space<vmem_shared>>) target(%dma_start3A_76 : memref<16x128xf32, #tpu.memory_space<vmem>>) target_semaphore(%run_scoped3A : memref<!tpu.dma_semaphore, #tpu.memory_space<semaphore_mem>>)
        %dma_wait3A = arith.constant 0 : i32
        %dma_wait3A_80 = arith.constant 0 : i32
        %dma_wait3A_81 = tpu.memref_slice %arg9[%dma_wait3A, %dma_wait3A_80] : memref<104x128xf32, #tpu.memory_space<vmem>> -> memref<16x128xf32, #tpu.memory_space<vmem>>
        %dma_wait3A_82 = arith.constant 9984 : i32
        %dma_wait3A_83 = arith.constant 0 : i32
        %dma_wait3A_84 = tpu.memref_slice %arg11[%dma_wait3A_82, %dma_wait3A_83] : memref<10000x128xf32, #tpu.memory_space<vmem_shared>> -> memref<16x128xf32, #tpu.memory_space<vmem_shared>>
        %dma_wait3A_85 = arith.constant 0 : i32
        %dma_wait3A_86 = arith.constant 0 : i32
        %dma_wait3A_87 = tpu.memref_slice %arg9[%dma_wait3A_85, %dma_wait3A_86] : memref<104x128xf32, #tpu.memory_space<vmem>> -> memref<16x128xf32, #tpu.memory_space<vmem>>
        %dma_wait3A_88 = arith.constant 9984 : i32
        %dma_wait3A_89 = arith.constant 0 : i32
        %dma_wait3A_90 = tpu.memref_slice %arg11[%dma_wait3A_88, %dma_wait3A_89] : memref<10000x128xf32, #tpu.memory_space<vmem_shared>> -> memref<16x128xf32, #tpu.memory_space<vmem_shared>>
        tpu.wait_dma2 semaphore(%run_scoped3A : memref<!tpu.dma_semaphore, #tpu.memory_space<semaphore_mem>>) src(%dma_wait3A_90 : memref<16x128xf32, #tpu.memory_space<vmem_shared>>) dst(%dma_wait3A_87 : memref<16x128xf32, #tpu.memory_space<vmem>>)
        tpu.yield
      }) : () -> ()
      "tpu.region"() ({
        %run_scoped3A = tpu.sem_alloc : memref<!tpu.dma_semaphore, #tpu.memory_space<semaphore_mem>>
        %dma_start3A = arith.constant 0 : i32
        %dma_start3A_69 = arith.constant 0 : i32
        %dma_start3A_70 = tpu.memref_slice %arg9[%dma_start3A, %dma_start3A_69] : memref<104x128xf32, #tpu.memory_space<vmem>> -> memref<16x128xf32, #tpu.memory_space<vmem>>
        %dma_start3A_71 = arith.constant 9984 : i32
        %dma_start3A_72 = arith.constant 0 : i32
        %dma_start3A_73 = tpu.memref_slice %arg5[%arg0, %dma_start3A_71, %dma_start3A_72] : memref<2x10000x128xf32, #tpu.memory_space<hbm>> -> memref<1x16x128xf32, #tpu.memory_space<hbm>>
        %dma_start3A_74 = tpu.memref_squeeze %dma_start3A_73 : memref<1x16x128xf32, #tpu.memory_space<hbm>> -> memref<16x128xf32, #tpu.memory_space<hbm>>
        %dma_start3A_75 = arith.constant 9984 : i32
        %dma_start3A_76 = arith.constant 0 : i32
        %dma_start3A_77 = tpu.memref_slice %arg5[%arg0, %dma_start3A_75, %dma_start3A_76] : memref<2x10000x128xf32, #tpu.memory_space<hbm>> -> memref<1x16x128xf32, #tpu.memory_space<hbm>>
        %dma_start3A_78 = tpu.memref_squeeze %dma_start3A_77 : memref<1x16x128xf32, #tpu.memory_space<hbm>> -> memref<16x128xf32, #tpu.memory_space<hbm>>
        %dma_start3A_79 = arith.constant 0 : i32
        %dma_start3A_80 = arith.constant 0 : i32
        %dma_start3A_81 = tpu.memref_slice %arg9[%dma_start3A_79, %dma_start3A_80] : memref<104x128xf32, #tpu.memory_space<vmem>> -> memref<16x128xf32, #tpu.memory_space<vmem>>
        tpu.enqueue_dma source(%dma_start3A_81 : memref<16x128xf32, #tpu.memory_space<vmem>>) target(%dma_start3A_78 : memref<16x128xf32, #tpu.memory_space<hbm>>) target_semaphore(%run_scoped3A : memref<!tpu.dma_semaphore, #tpu.memory_space<semaphore_mem>>)
        %dma_wait3A = arith.constant 0 : i32
        %dma_wait3A_82 = arith.constant 0 : i32
        %dma_wait3A_83 = tpu.memref_slice %arg9[%dma_wait3A, %dma_wait3A_82] : memref<104x128xf32, #tpu.memory_space<vmem>> -> memref<16x128xf32, #tpu.memory_space<vmem>>
        %dma_wait3A_84 = arith.constant 9984 : i32
        %dma_wait3A_85 = arith.constant 0 : i32
        %dma_wait3A_86 = tpu.memref_slice %arg5[%arg0, %dma_wait3A_84, %dma_wait3A_85] : memref<2x10000x128xf32, #tpu.memory_space<hbm>> -> memref<1x16x128xf32, #tpu.memory_space<hbm>>
        %dma_wait3A_87 = tpu.memref_squeeze %dma_wait3A_86 : memref<1x16x128xf32, #tpu.memory_space<hbm>> -> memref<16x128xf32, #tpu.memory_space<hbm>>
        %dma_wait3A_88 = arith.constant 9984 : i32
        %dma_wait3A_89 = arith.constant 0 : i32
        %dma_wait3A_90 = tpu.memref_slice %arg5[%arg0, %dma_wait3A_88, %dma_wait3A_89] : memref<2x10000x128xf32, #tpu.memory_space<hbm>> -> memref<1x16x128xf32, #tpu.memory_space<hbm>>
        %dma_wait3A_91 = tpu.memref_squeeze %dma_wait3A_90 : memref<1x16x128xf32, #tpu.memory_space<hbm>> -> memref<16x128xf32, #tpu.memory_space<hbm>>
        %dma_wait3A_92 = arith.constant 0 : i32
        %dma_wait3A_93 = arith.constant 0 : i32
        %dma_wait3A_94 = tpu.memref_slice %arg9[%dma_wait3A_92, %dma_wait3A_93] : memref<104x128xf32, #tpu.memory_space<vmem>> -> memref<16x128xf32, #tpu.memory_space<vmem>>
        tpu.wait_dma2 semaphore(%run_scoped3A : memref<!tpu.dma_semaphore, #tpu.memory_space<semaphore_mem>>) src(%dma_wait3A_94 : memref<16x128xf32, #tpu.memory_space<vmem>>) dst(%dma_wait3A_91 : memref<16x128xf32, #tpu.memory_space<hbm>>)
        tpu.yield
      }) : () -> ()
    } else {
    }
    return
  }
}

module attributes {stable_mosaic.version = 14 : i64} {
  func.func @body(%arg0: memref<10000x128xf32, #tpu.memory_space<vmem>>, %arg1: memref<2x10000x128xf32, #tpu.memory_space<vmem>>, %arg2: memref<128x128xf32, #tpu.memory_space<vmem>>, %arg3: memref<1x128xf32, #tpu.memory_space<vmem>>, %arg4: memref<128x128xf32, #tpu.memory_space<vmem>>, %arg5: memref<1x128xf32, #tpu.memory_space<vmem>>, %arg6: memref<1x128xf32, #tpu.memory_space<vmem>>, %arg7: memref<1x128xf32, #tpu.memory_space<vmem>>, %arg8: memref<10000x128xf32, #tpu.memory_space<vmem>>) attributes {dimension_semantics = [], scalar_prefetch = 0 : i64, scratch_operands = 0 : i64, tpu.core_type = #tpu.core_type<tc>} {
    %get3A = arith.constant 0 : index
    %get3A_0 = arith.constant 0 : index
    %get3A_1 = vector.load %arg0[%get3A, %get3A_0] : memref<10000x128xf32, #tpu.memory_space<vmem>>, vector<10000x128xf32>
    %get3A_2 = arith.constant 0 : index
    %get3A_3 = arith.constant 0 : index
    %get3A_4 = arith.constant 0 : index
    %get3A_5 = vector.load %arg1[%get3A_2, %get3A_3, %get3A_4] : memref<2x10000x128xf32, #tpu.memory_space<vmem>>, vector<1x10000x128xf32>
    %get3A_6 = vector.shape_cast %get3A_5 : vector<1x10000x128xf32> to vector<10000x128xf32>
    %add3A = arith.addf %get3A_1, %get3A_6 : vector<10000x128xf32>
    %get3A_7 = arith.constant 1 : index
    %get3A_8 = arith.constant 0 : index
    %get3A_9 = arith.constant 0 : index
    %get3A_10 = vector.load %arg1[%get3A_7, %get3A_8, %get3A_9] : memref<2x10000x128xf32, #tpu.memory_space<vmem>>, vector<1x10000x128xf32>
    %get3A_11 = vector.shape_cast %get3A_10 : vector<1x10000x128xf32> to vector<10000x128xf32>
    %add3A_12 = arith.addf %add3A, %get3A_11 : vector<10000x128xf32>
    %get3A_13 = arith.constant 0 : index
    %get3A_14 = arith.constant 0 : index
    %get3A_15 = vector.load %arg2[%get3A_13, %get3A_14] : memref<128x128xf32, #tpu.memory_space<vmem>>, vector<128x128xf32>
    %dot_general3A = arith.constant dense<0.000000e+00> : vector<10000x128xf32>
    %dot_general3A_16 = tpu.matmul %add3A_12, %get3A_15, %dot_general3A {dimension_numbers = #tpu.dot_dimension_numbers<[1], [0], [0], [1], [0, 0, 1, 1], [], []>, transpose_lhs_hint = false} : vector<10000x128xf32>, vector<128x128xf32>, vector<10000x128xf32> -> vector<10000x128xf32>
    %get3A_17 = arith.constant 0 : index
    %get3A_18 = arith.constant 0 : index
    %get3A_19 = vector.load %arg3[%get3A_17, %get3A_18] : memref<1x128xf32, #tpu.memory_space<vmem>>, vector<1x128xf32>
    %add3A_20 = vector.broadcast %get3A_19 : vector<1x128xf32> to vector<10000x128xf32>
    %add3A_21 = arith.addf %dot_general3A_16, %add3A_20 : vector<10000x128xf32>
    %max3A = arith.constant 0.000000e+00 : f32
    %max3A_22 = vector.broadcast %max3A : f32 to vector<10000x128xf32>
    %max3A_23 = arith.maximumf %add3A_21, %max3A_22 : vector<10000x128xf32>
    %get3A_24 = arith.constant 0 : index
    %get3A_25 = arith.constant 0 : index
    %get3A_26 = vector.load %arg4[%get3A_24, %get3A_25] : memref<128x128xf32, #tpu.memory_space<vmem>>, vector<128x128xf32>
    %dot_general3A_27 = arith.constant dense<0.000000e+00> : vector<10000x128xf32>
    %dot_general3A_28 = tpu.matmul %max3A_23, %get3A_26, %dot_general3A_27 {dimension_numbers = #tpu.dot_dimension_numbers<[1], [0], [0], [1], [0, 0, 1, 1], [], []>, transpose_lhs_hint = false} : vector<10000x128xf32>, vector<128x128xf32>, vector<10000x128xf32> -> vector<10000x128xf32>
    %get3A_29 = arith.constant 0 : index
    %get3A_30 = arith.constant 0 : index
    %get3A_31 = vector.load %arg5[%get3A_29, %get3A_30] : memref<1x128xf32, #tpu.memory_space<vmem>>, vector<1x128xf32>
    %add3A_32 = vector.broadcast %get3A_31 : vector<1x128xf32> to vector<10000x128xf32>
    %add3A_33 = arith.addf %dot_general3A_28, %add3A_32 : vector<10000x128xf32>
    %reduce_sum3A = arith.constant dense<0.000000e+00> : vector<128xf32>
    %reduce_sum3A_34 = vector.multi_reduction <add>, %add3A_33, %reduce_sum3A [0] : vector<10000x128xf32> to vector<128xf32>
    %broadcast_in_dim3A = vector.shape_cast %reduce_sum3A_34 : vector<128xf32> to vector<1x128xf32>
    %div3A = arith.constant 1.000000e+04 : f32
    %div3A_35 = vector.broadcast %div3A : f32 to vector<1x128xf32>
    %div3A_36 = arith.divf %broadcast_in_dim3A, %div3A_35 : vector<1x128xf32>
    %sub3A = vector.broadcast %div3A_36 : vector<1x128xf32> to vector<10000x128xf32>
    %sub3A_37 = arith.subf %add3A_33, %sub3A : vector<10000x128xf32>
    %mul3A = arith.mulf %sub3A_37, %sub3A_37 : vector<10000x128xf32>
    %reduce_sum3A_38 = arith.constant dense<0.000000e+00> : vector<128xf32>
    %reduce_sum3A_39 = vector.multi_reduction <add>, %mul3A, %reduce_sum3A_38 [0] : vector<10000x128xf32> to vector<128xf32>
    %broadcast_in_dim3A_40 = vector.shape_cast %reduce_sum3A_39 : vector<128xf32> to vector<1x128xf32>
    %div3A_41 = arith.constant 1.000000e+04 : f32
    %div3A_42 = vector.broadcast %div3A_41 : f32 to vector<1x128xf32>
    %div3A_43 = arith.divf %broadcast_in_dim3A_40, %div3A_42 : vector<1x128xf32>
    %add3A_44 = arith.constant 9.99999974E-6 : f32
    %add3A_45 = vector.broadcast %add3A_44 : f32 to vector<1x128xf32>
    %add3A_46 = arith.addf %div3A_43, %add3A_45 : vector<1x128xf32>
    %rsqrt3A = math.rsqrt %add3A_46 : vector<1x128xf32>
    %mul3A_47 = vector.broadcast %rsqrt3A : vector<1x128xf32> to vector<10000x128xf32>
    %mul3A_48 = arith.mulf %sub3A_37, %mul3A_47 : vector<10000x128xf32>
    %get3A_49 = arith.constant 0 : index
    %get3A_50 = arith.constant 0 : index
    %get3A_51 = vector.load %arg6[%get3A_49, %get3A_50] : memref<1x128xf32, #tpu.memory_space<vmem>>, vector<1x128xf32>
    %mul3A_52 = vector.broadcast %get3A_51 : vector<1x128xf32> to vector<10000x128xf32>
    %mul3A_53 = arith.mulf %mul3A_48, %mul3A_52 : vector<10000x128xf32>
    %get3A_54 = arith.constant 0 : index
    %get3A_55 = arith.constant 0 : index
    %get3A_56 = vector.load %arg7[%get3A_54, %get3A_55] : memref<1x128xf32, #tpu.memory_space<vmem>>, vector<1x128xf32>
    %add3A_57 = vector.broadcast %get3A_56 : vector<1x128xf32> to vector<10000x128xf32>
    %add3A_58 = arith.addf %mul3A_53, %add3A_57 : vector<10000x128xf32>
    %max3A_59 = arith.constant 0.000000e+00 : f32
    %max3A_60 = vector.broadcast %max3A_59 : f32 to vector<10000x128xf32>
    %max3A_61 = arith.maximumf %add3A_58, %max3A_60 : vector<10000x128xf32>
    %add3A_62 = arith.addf %get3A_1, %max3A_61 : vector<10000x128xf32>
    %swap3A = arith.constant 0 : index
    %swap3A_63 = arith.constant 0 : index
    %swap3A_64 = vector.load %arg8[%swap3A, %swap3A_63] : memref<10000x128xf32, #tpu.memory_space<vmem>>, vector<10000x128xf32>
    tpu.vector_store %arg8[%swap3A, %swap3A_63], %add3A_62 {strides = array<i32>} : memref<10000x128xf32, #tpu.memory_space<vmem>>, vector<10000x128xf32>,
    return
  }
}

</mosaic_0001>

<sc_bundles>
// kernel: kernel.4.cloned.1.call-start
scs
__scs_entry_jumppad:
0x0: {  	(pc) =	sbr.rel $0x88, $3  }
0x1: {  	(tag) =	ssettag $0x0;
	lr =	simm.s32 $0x1  }
0x2: {  	[smem:$0x3F99] =	sst lr;
	_ =	strace $0xD0000000  }
0x3: {  	_ = 	snop  }
0x4: {  	_ = 	snop  }
0x5: {  	_ = 	snop  }
0x6: {  	_ = 	snop  }
0x7: {  	_ = 	snop  }
__scs_overlays_trampoline_lowered:
0x8: {  	[smem:$0x3FA8] =	sst s0  }
0x9: {  	[smem:$0x3FA9] =	sst s1  }
0xa: {  	[smem:$0x3FAA] =	sst s2  }
0xb: {  	[smem:$0x3FAB] =	sst s3  }
0xc: {  	[smem:$0x3FAC] =	sst s4  }
0xd: {  	[smem:$0x3FAD] =	sst s5  }
0xe: {  	[smem:$0x3FAE] =	sst s6  }
0xf: {  	[smem:$0x3FAF] =	sst s7  }
0x10: {  	[smem:$0x3FB0] =	sst s8  }
0x11: {  	[smem:$0x3FB1] =	sst s9;
	s0 =	simm.s32 @!p0 $0x0  }
0x12: {  	s1 =	sld [smem:$0x3F97];
	s0 =	simm.s32 @p0 $0x1  }
0x13: {  	[smem:$0x3FB2] =	sst s0;
	s0 =	simm.s32 @!p1 $0x0  }
0x14: {  	s2 =	sld [smem:$0x3F96];
	s0 =	simm.s32 @p1 $0x1  }
0x15: {  	[smem:$0x3FB3] =	sst s0;
	s0 =	simm.s32 @!p2 $0x0  }
0x16: {  	s3 =	sld [smem:$0x3FDB];
	s0 =	simm.s32 @p2 $0x1  }
0x17: {  	s4 =	simm.s32 $0x1BF5;
	[smem:$0x3FB5] =	sst s0  }
0x18: {  	s0 =	sld [smem:$0x3F98];
	_ =	swait.ge [sflag:s4], $0x0  }
0x19: {  	s7 =	sld [smem:$0x3F99]  }
0x1a: {  	s8 =	sadd.s32 $0xFFFFE003, lr  }
0x1b: {  	s9 =	sadd.s32 $0xFFFFFEF7, lr;
	s5 =	simm.s32 $0xFFFFFFFF;
	p2 =	slt.u32 s8, $0xFFFFF086  }
0x1c: {  	p1 =	slt.u32 s9, $0xF7A;
	s5 =	simm.s32 @!p2 $0x0  }
0x1d: {  	s5 =	simm.s32 @p1 $0x1;
	p0 =	seq.s32 s7, s2  }
0x1e: {  	s7 =	smul.u32 @!p0 $0xF7A, s2;
	p2 =	seq.s32 @!p0 s5, $0x0  }
0x1f: {  	s9 =	smul.u32 $0xF7A, s1;
	s8 =	simm.s32 @!p0 $0x1BF5;
	p2 =	por !p2, p0  }
0x20: {  	[sflag:s8] =	ssyncset.s32 @!p0 $0xFFFFF086;
	s6 =	sadd.s32 @!p0 s3, s7;
	s7 =	simm.s32 @!p0 $0x108  }
0x21: {  	s3 =	sadd.s32 s3, s9;
	s6 =	sadd.s32 @!p0 $0x88, s6;
	s7 =	simm.s32 @p2 $0x1082  }
0x22: {  	[simem:s7], [sflag:s8] =	dma.local @!p0 [hbm:s6], $0xF7A  }
0x23: {  	s9 =	sor.u32 $0xD0000000, s2;
	s6 =	simm.s32 $0x108;
	_ =	swait.ge @!p0 [sflag:s8], $0x0  }
0x24: {  	s3 =	sadd.s32 $0x88, s3;
	s6 =	simm.s32 @!p1 $0x1082;
	[sflag:s4] =	ssyncset.s32 $0xFFFFF086  }
0x25: {  	[simem:s6], [sflag:s4] =	dma.local [hbm:s3], $0xF7A  }
0x26: {  	[smem:$0x3F99] =	sst s1;
	(tag) =	ssettag s2;
	_ =	strace s9  }
0x27: {  	s1 =	sld [smem:$0x3FA9]  }
0x28: {  	s2 =	sld [smem:$0x3FAA]  }
0x29: {  	s4 =	sld [smem:$0x3FAC]  }
0x2a: {  	p0 =	seq.s32 s5, $0x0;
	s5 =	sld [smem:$0x3FAD]  }
0x2b: {  	s6 =	sld [smem:$0x3FAE]  }
0x2c: {  	s7 =	sld [smem:$0x3FAF]  }
0x2d: {  	s3 =	simm.s32 $0x108;
	s8 =	sld [smem:$0x3FB0]  }
0x2e: {  	s3 =	simm.s32 @!p0 $0x1082;
	s9 =	sld [smem:$0x3FB1]  }
0x2f: {  	lr =	sadd.s32 s0, s3;
	s0 =	sld [smem:$0x3FA8]  }
0x30: {  	s3 =	sld [smem:$0x3FAB]  }
0x31: {  	[smem:$0x3FB4] =	sst s10  }
0x32: {  	s10 =	sld [smem:$0x3FB2];
	_ =	sdelay $0x3  }
0x33: {  	p0 =	seq.s32 s10, $0x1;
	s10 =	sld [smem:$0x3FB4];
	_ =	sdelay $0x3  }
0x34: {  	[smem:$0x3FB4] =	sst s10  }
0x35: {  	s10 =	sld [smem:$0x3FB3];
	_ =	sdelay $0x3  }
0x36: {  	p1 =	seq.s32 s10, $0x1;
	s10 =	sld [smem:$0x3FB4];
	_ =	sdelay $0x3  }
0x37: {  	[smem:$0x3FB4] =	sst s10  }
0x38: {  	s10 =	sld [smem:$0x3FB5]  }
0x39: {  	_ = 	snop;
	(pc) =	sbr.ind lr, $3  }
0x3a: {  	_ = 	snop  }
0x3b: {  	_ = 	snop  }
0x3c: {  	p2 =	seq.s32 s10, $0x1;
	s10 =	sld [smem:$0x3FB4]  }
0x3d: {  	_ =	shalt  }
0x3e: {  	_ =	shalt  }
0x3f: {  	_ =	shalt  }
0x40: {  	_ =	shalt  }
0x41: {  	_ =	shalt  }
0x42: {  	_ =	shalt  }
0x43: {  	_ =	shalt  }
0x44: {  	_ =	shalt  }
0x45: {  	_ =	shalt  }
0x46: {  	_ =	shalt  }
0x47: {  	_ =	shalt  }
0x48: {  	_ =	shalt  }
0x49: {  	_ =	shalt  }
0x4a: {  	_ =	shalt  }
0x4b: {  	_ =	shalt  }
0x4c: {  	_ =	shalt  }
0x4d: {  	_ =	shalt  }
0x4e: {  	_ =	shalt  }
0x4f: {  	_ =	shalt  }
0x50: {  	_ =	shalt  }
0x51: {  	_ =	shalt  }
0x52: {  	_ =	shalt  }
0x53: {  	_ =	shalt  }
0x54: {  	_ =	shalt  }
0x55: {  	_ =	shalt  }
0x56: {  	_ =	shalt  }
0x57: {  	_ =	shalt  }
0x58: {  	_ =	shalt  }
0x59: {  	_ =	shalt  }
0x5a: {  	_ =	shalt  }
0x5b: {  	_ =	shalt  }
0x5c: {  	_ =	shalt  }
0x5d: {  	_ =	shalt  }
0x5e: {  	_ =	shalt  }
0x5f: {  	_ =	shalt  }
0x60: {  	_ =	shalt  }
0x61: {  	_ =	shalt  }
0x62: {  	_ =	shalt  }
0x63: {  	_ =	shalt  }
0x64: {  	_ =	shalt  }
0x65: {  	_ =	shalt  }
0x66: {  	_ =	shalt  }
0x67: {  	_ =	shalt  }
0x68: {  	_ =	shalt  }
0x69: {  	_ =	shalt  }
0x6a: {  	_ =	shalt  }
0x6b: {  	_ =	shalt  }
0x6c: {  	_ =	shalt  }
0x6d: {  	_ =	shalt  }
0x6e: {  	_ =	shalt  }
0x6f: {  	_ =	shalt  }
0x70: {  	_ =	shalt  }
0x71: {  	_ =	shalt  }
0x72: {  	_ =	shalt  }
0x73: {  	_ =	shalt  }
0x74: {  	_ =	shalt  }
0x75: {  	_ =	shalt  }
0x76: {  	_ =	shalt  }
0x77: {  	_ =	shalt  }
0x78: {  	_ =	shalt  }
0x79: {  	_ =	shalt  }
0x7a: {  	_ =	shalt  }
0x7b: {  	_ =	shalt  }
0x7c: {  	_ =	shalt  }
0x7d: {  	_ =	shalt  }
0x7e: {  	_ =	shalt  }
0x7f: {  	_ =	shalt  }
0x80: {  	_ =	shalt  }
0x81: {  	_ =	shalt  }
0x82: {  	_ =	shalt  }
0x83: {  	_ =	shalt  }
0x84: {  	_ =	shalt  }
0x85: {  	_ =	shalt  }
0x86: {  	_ =	shalt  }
0x87: {  	_ =	shalt  }
.Lfunc_end0:
.L_simem_size_0:
called_computation_lowered:
.L_overlay_start_0:
0x88: {  	s2 =	sld [smem:$0x3FD9]  }
0x89: {  	s3 =	sld [smem:$0x3FFE];
	_ =	sdelay $0x1  }
0x8a: {  	s1 =	srdreg.scid  }
0x8b: {  	s0 =	sand.u32 $0x1, s1  }
0x8c: {  	s17 =	sshll.u32 s0, $0xA;
	s2 =	sadd.s32 s3, s2  }
0x8d: {  	s2 =	sadd.s32 s2, s17  }
0x8e: {  	[smem:$0x3FC0] =	sst s2  }
0x8f: {  	_ = 	snop  }
0x90: {  	s2 =	sld [smem:$0x3FC9]  }
0x91: {  	s18 =	sld [smem:$0x3FD0];
	(tm) =	ssettm $0x1  }
0x92: {  	s4 =	sld [smem:$0x3FFB];
	_ =	sdelay $0x3  }
0x93: {  	_ =	strace s4  }
0x94: {  	s4 =	sld [smem:$0x3FFC];
	_ =	sdelay $0x3  }
0x95: {  	_ =	strace s4  }
0x96: {  	s4 =	sld [smem:$0x3FFD];
	_ =	sdelay $0x3  }
0x97: {  	_ =	strace s4  }
0x98: {  	_ =	strace $0x8FFFFFFF  }
0x99: {  	s19 =	sld [smem:$0x3FDB];
	_ =	sdelay $0x1  }
0x9a: {  	s5 =	simm.s32 $_scs_section_size  }
0x9b: {  	s6 =	simm.s32 $_size__tile_overlayer_lowered;
	s7 =	simm.s32 $_tile_overlayer_lowered  }
0x9c: {  	s22 =	simm.s32 $0x1BFF;
	s21 =	sshll.u32 s7, $0x1;
	s4 =	sadd.s32 s5, s19  }
0x9d: {  	s8 =	simm.s32 $0x0;
	s20 =	sshll.u32 s6, $0x1;
	s6 =	sadd.s32 s21, s4  }
0x9e: {  	[timem:s8], [sflag:s22] =	dma.local [hbm:s6], s20  }
0x9f: {  	_ =	swait.ge [sflag:s22], s20  }
0xa0: {  	s5 =	ssub.s32 $0x0, s20;
	[sflag:s22] =	ssyncset.done $0x0  }
0xa1: {  	[sflag:s22] =	ssyncadd.s32 s5;
	_ =	sdelay $0x1  }
0xa2: {  	s23 =	simm.s32 $0x1B8B  }
0xa3: {  	_ =	swait.ge [sflag:s23], $0x1  }
0xa4: {  	[sflag:s23] =	ssyncset.done $0x0  }
0xa5: {  	s25 =	simm.s32 $0x1B8E;
	s24 =	sld [smem:$0x3FFE];
	[sflag:s23] =	ssyncadd.s32 $0xFFFFFFFF  }
0xa6: {  	s26 =	simm.s32 $execute0_lowered;
	[smem:$0x3FD2] =	sst s25  }
0xa7: {  	s6 =	sshll.u32 s26, $0x1;
	_ =	strace $0x80000046;
	[dreg:$0x1] =	wrdreg $0xFFFFFFFF  }
0xa8: {  	s28 =	simm.s32 $_size_execute0_lowered;
	s4 =	sadd.s32 s4, s6;
	[dreg:$0x0] =	wrdreg $0x0  }
0xa9: {  	s6 =	sshll.u32 s28, $0x1;
	[dreg:$0x2] =	wrdreg s4  }
0xaa: {  	[dreg:$0x3] =	wrdreg s6  }
0xab: {  	[dreg:$0x4] =	wrdreg $0xC0  }
0xac: {  	_ =	task [dreg:s8], $0x5FFFF  }
0xad: {  	[dreg:$0x1] =	wrdreg $0xFFFFFFFF  }
0xae: {  	[dreg:$0x0] =	wrdreg $0x60  }
0xaf: {  	[dreg:$0x2] =	wrdreg s2  }
0xb0: {  	[dreg:$0x3] =	wrdreg s24  }
0xb1: {  	[dreg:$0x4] =	wrdreg s18  }
0xb2: {  	[dreg:$0x5] =	wrdreg $0x5D000  }
0xb3: {  	[dreg:$0x6] =	wrdreg $0x9  }
0xb4: {  	_ =	task.clear_ibuf [dreg:s8], $0x7FFFF;
	_ =	strace $0x90000046  }
0xb5: {  	s29 =	simm.s32 $0x9;
	_ =	strace $0x80000048  }
0xb6: {  	_ =	swait.ge [sflag:s29], $0x1  }
0xb7: {  	[sflag:s29] =	ssyncadd.s32 $0xFFFFFFFF  }
0xb8: {  	_ =	strace $0x90000048  }
0xb9: {  	_ =	sfence  }
0xba: {  	s30 =	sld [smem:$0x0];
	_ =	sdelay $0x2  }
0xbb: {  	s31 =	sshll.u32 s1, $0xD;
	s1 =	sshrl.u32 s1, $0x2  }
0xbc: {  	s3 =	sand.u32 $0x4000, s31;
	s1 =	sadd.s32 s1, s30  }
0xbd: {  	s0 =	sor.u32 s3, s0;
	s1 =	sshll.u32 s1, $0x11  }
0xbe: {  	s0 =	sor.u32 s1, s0  }
0xbf: {  	s0 =	sadd.s32 $0x8F2B, s0  }
0xc0: {  	[sflag:s0] =	ssyncadd.remote.s32 $0x1  }
0xc1: {  	_ =	sfence.sel $0xFFFF  }
0xc2: {  	[dreg:$0x0] =	wrdreg $0xFFFFFFFF;
	(pc) =	sbr.abs _section_cstart, $3  }
0xc3: {  	[dreg:$0x1] =	wrdreg $0xFFFFFFFF  }
0xc4: {  	_ =	task.clear_ibuf [dreg:s8], $0x2FFFF;
	_ =	strace $0x9FFFFFFF  }
0xc5: {  	(tm) =	ssettm $0x7FFFFFFF  }
tec
execute0_lowered:
.L_overlay_start_1:
0x0: {  	(tag) =	ssettag $0x1  }
0x1: {  	s0 =	rddreg [dreg:$0x0]  }
0x2: {  	s4 =	rddreg [dreg:$0x1];
	s1 =	srdreg.scid  }
0x3: {  	s19 =	rddreg [dreg:$0x2];
	s21 =	stileid.u32  }
0x4: {  	s2 =	rddreg [dreg:$0x3];
	s3 =	simm.s32 $0x0;
	s7 =	smul.u32 $0x2710, s21  }
0x5: {  	s25 =	simm.s32 $0x100;
	s28 =	simm.s32 $0x0;
	s26 =	smul.u32 $0x4E000, s21  }
0x6: {  	s6 =	sand.u32 $0x1, s1;
	[smem:$0x7FF] =	sst s3;
	s9 =	smul.u32 $0x13800, s21  }
0x7: {  	s17 =	sadd.s32 $0xB000, s4;
	s10 =	sadd.s32 $0x138000, s2;
	p0 =	sne.s32 s21, $0x0  }
0x8: {  	s21 =	simm.s32 $0x2900;
	s5 =	smul.u32 $0x27100, s6;
	s29 =	ssub.s32 $0x2, s6  }
0x9: {  	_ =	strace $0x80000047;
	s15 =	smul.u32 $0x138800, s6;
	s30 =	sshrl.u32 s29, $0x1  }
0xa: {  	s12 =	sadd.s32 $0x3400, s9;
	s13 =	sadd.s32 $0x6800, s9;
	s14 =	sadd.s32 $0x9C00, s9  }
0xb: {  	s16 =	sadd.s32 $0xD000, s9;
	s23 =	sadd.s32 $0x10400, s9;
	s5 =	sadd.s32 s7, s5  }
0xc: {  	s7 =	sshrl.u32 s26, $0x2;
	s18 =	ssub.s32 s29, s30;
	s6 =	sadd.s32 s13, s2  }
0xd: {  	s8 =	sadd.s32 s16, s2;
	s11 =	sadd.s32 s9, s15;
	s9 =	sadd.s32 s23, s2  }
0xe: {  	s13 =	sadd.s32 s15, s13;
	s16 =	sadd.s32 s15, s16;
	s23 =	sadd.s32 s15, s23  }
0xf: {  	s24 =	sshrl.u32 s15, $0x3;
	s26 =	simm.s32 $0x1;
	s20 =	sshrl.u32 s5, $0x3  }
0x10: {  	s5 =	sadd.s32 s12, s2;
	s11 =	sshrl.u32 s11, $0x3;
	s12 =	sadd.s32 s15, s12  }
0x11: {  	s13 =	sshrl.u32 s13, $0x3;
	s16 =	sshrl.u32 s16, $0x3;
	s23 =	sshrl.u32 s23, $0x3  }
0x12: {  	s18 =	smax.u32 s18, $0x1;
	s22 =	sadd.s32 s20, s4;
	s4 =	sadd.s32 s7, s2  }
0x13: {  	s7 =	sadd.s32 s14, s2;
	s31 =	sadd.s32 s17, s11;
	s12 =	sshrl.u32 s12, $0x3  }
0x14: {  	s14 =	sadd.s32 s15, s14;
	s13 =	sadd.s32 s17, s13;
	s15 =	sadd.s32 s17, s16  }
0x15: {  	s16 =	sadd.s32 s17, s23;
	s19 =	sadd.s32 s20, s19;
	s23 =	simm.s32 $0x80  }
0x16: {  	[dreg:$0x5] =	wrdreg s31;
	s12 =	sadd.s32 s17, s12;
	s14 =	sshrl.u32 s14, $0x3  }
0x17: {  	s20 =	sadd.s32 $0x1200, s22;
	s14 =	sadd.s32 s17, s14;
	s17 =	sadd.s32 s17, s24  }
0x18: {  	v0 =	vimm.f32 $0.0e+00;
	s22 =	simm.s32 $0x2;
	s24 =	simm.s32 $0x50;
	s17 =	sadd.s32 $0x27000, s17  }
.LBB2_1:
0x19: {  	s29 =	sand.u32 $0xFE00, s3  }
0x1a: {  	s30 =	sand.u32 $0x70, s3;
	s31 =	sshrl.u32 s29, $0x2  }
0x1b: {  	s29 =	simm.s32 $0x40;
	s31 =	sor.u32 s30, s31;
	s30 =	simm.s32 $0x0  }
.LBB2_2:
0x1c: {  	p1 =	sne.s32 s29, $0xCFC0  }
0x1d: {  	[tilespmem:s31+$0x2900] =	vst v0;
	s30 =	sadd.s32 $0x10, s30;
	s31 =	smov.u32 s29;
	s29 =	sadd.s32 $0x40, s29  }
.Ltmp0:
0x1e: {  	(pc) =	sbr.rel @p1 .LBB2_2-.Ltmp0, $4  }
0x1f: {  	_ = 	snop  }
0x20: {  	s31 =	sand.u32 $0xFE00, s31  }
0x21: {  	s1 =	sand.u32 $0x70, s30;
	s31 =	sshrl.u32 s31, $0x2  }
0x22: {  	s31 =	sor.u32 s1, s31  }
0x23: {  	[tilespmem:s31+$0x2900] =	vst v0  }
0x24: {  	[spmem:s4] =	stream.linear.scatter [tilespmem:s21], [sflag:$0x2], $0x3400, $0x38;
	[tilespmem:$0x19580] =	vst v63  }
0x25: {  	_ =	swait.ge [sflag:s22], $0x3400  }
0x26: {  	[sflag:s22] =	ssyncset.done $0x0  }
0x27: {  	[sflag:s22] =	ssyncadd.s32 $0xFFFFCC00  }
0x28: {  	[spmem:s5] =	stream.linear.scatter [tilespmem:s21], [sflag:$0x2], $0x3400, $0x38;
	[tilespmem:$0x19580] =	vst v63  }
0x29: {  	_ =	swait.ge [sflag:s22], $0x3400  }
0x2a: {  	[sflag:s22] =	ssyncset.done $0x0  }
0x2b: {  	[sflag:s22] =	ssyncadd.s32 $0xFFFFCC00  }
0x2c: {  	[spmem:s6] =	stream.linear.scatter [tilespmem:s21], [sflag:$0x2], $0x3400, $0x38;
	[tilespmem:$0x19580] =	vst v63  }
0x2d: {  	_ =	swait.ge [sflag:s22], $0x3400  }
0x2e: {  	[sflag:s22] =	ssyncset.done $0x0  }
0x2f: {  	[sflag:s22] =	ssyncadd.s32 $0xFFFFCC00  }
0x30: {  	[spmem:s7] =	stream.linear.scatter [tilespmem:s21], [sflag:$0x2], $0x3400, $0x38;
	[tilespmem:$0x19580] =	vst v63  }
0x31: {  	_ =	swait.ge [sflag:s22], $0x3400  }
0x32: {  	[sflag:s22] =	ssyncset.done $0x0  }
0x33: {  	[sflag:s22] =	ssyncadd.s32 $0xFFFFCC00  }
0x34: {  	[spmem:s8] =	stream.linear.scatter [tilespmem:s21], [sflag:$0x2], $0x3400, $0x38;
	[tilespmem:$0x19580] =	vst v63  }
0x35: {  	_ =	swait.ge [sflag:s22], $0x3400  }
0x36: {  	[sflag:s22] =	ssyncset.done $0x0  }
0x37: {  	[sflag:s22] =	ssyncadd.s32 $0xFFFFCC00  }
0x38: {  	[spmem:s9] =	stream.linear.scatter [tilespmem:s21], [sflag:$0x2], $0x3400, $0x38;
	[tilespmem:$0x19580] =	vst v63  }
0x39: {  	_ =	swait.ge [sflag:s22], $0x3400  }
0x3a: {  	[sflag:s22] =	ssyncset.done $0x0  }
0x3b: {  	s1 =	simm.s32 @!p0 $0x2900;
	[sflag:s22] =	ssyncadd.s32 $0xFFFFCC00  }
0x3c: {  	[spmem:s10] =	stream.linear.scatter @!p0 [tilespmem:s1], [sflag:$0x2], $0x800, $0x38;
	[tilespmem:$0x19580] =	vst v63  }
0x3d: {  	s1 =	simm.s32 @!p0 $0x2  }
0x3e: {  	_ =	swait.ge @!p0 [sflag:s1], $0x800  }
0x3f: {  	[sflag:s1] =	ssyncset.done @!p0 $0x0  }
0x40: {  	[sflag:s1] =	ssyncadd.s32 @!p0 $0xFFFFF800  }
0x41: {  	s11 =	sadd.s32 $0x0, s20;
	[bflag:$0x0] =	sbarrier.arrive $0xFFFF  }
0x42: {  	[tilespmem:s3], [sflag:$0x2] =	stream.linear.gather [hbm4b:s11+s3], $0x50, $0x38;
	[tilespmem:$0x19580] =	vst v63  }
0x43: {  	_ =	swait.ge [sflag:s22], $0x50  }
0x44: {  	[sflag:s22] =	ssyncset.done $0x0  }
0x45: {  	s31 =	sadd.s32 $0x0, s19;
	[sflag:s22] =	ssyncadd.s32 $0xFFFFFFB0  }
0x46: {  	[tilespmem:s23], [sflag:$0x2] =	stream.linear.gather [hbm4b:s31+s3], $0x50, $0x38;
	[tilespmem:$0x19580] =	vst v63  }
0x47: {  	_ =	swait.ge [sflag:s22], $0x50  }
0x48: {  	[sflag:s22] =	ssyncset.done $0x0  }
0x49: {  	[sflag:s22] =	ssyncadd.s32 $0xFFFFFFB0  }
0x4a: {  	[tilespmem:s25], [sflag:$0x1] =	stream.indirect.gather [hbm4b:s0+s24], $0x80, s3, s24, $0xb8;
	[tilespmem:$0x19580] =	vst v63  }
0x4b: {  	_ =	swait.ge [sflag:s26], $0x2800  }
0x4c: {  	[sflag:s26] =	ssyncset.done $0x0  }
0x4d: {  	[sflag:s26] =	ssyncadd.s32 $0xFFFFD800  }
0x4e: {  	[spmem:s2] =	stream.indirect.scatter.add.f32 [tilespmem:s25], [sflag:$0x2], $0x80, s23, s24, $0xb8;
	[tilespmem:$0x19580] =	vst v63  }
0x4f: {  	_ =	swait.ge [sflag:s22], $0x2800  }
0x50: {  	s29 =	simm.s32 $0xA;
	s30 =	simm.s32 $0x14;
	[sflag:s22] =	ssyncset.done $0x0  }
.LBB2_4:
0x51: {  	s1 =	sadd.s32 s29, s20  }
0x52: {  	[sflag:s22] =	ssyncadd.s32 $0xFFFFD800;
	s31 =	smov.u32 s30;
	s11 =	sadd.s32 $0xA, s30  }
0x53: {  	[tilespmem:s3], [sflag:$0x2] =	stream.linear.gather [hbm4b:s1+s3], $0x50, $0x38;
	[tilespmem:$0x19580] =	vst v63  }
0x54: {  	p1 =	sne.s32 s30, $0x4D8;
	_ =	swait.ge [sflag:s22], $0x50  }
0x55: {  	[sflag:s22] =	ssyncset.done $0x0  }
0x56: {  	s1 =	sadd.s32 s29, s19;
	s29 =	smov.u32 s31;
	[sflag:s22] =	ssyncadd.s32 $0xFFFFFFB0  }
0x57: {  	[tilespmem:s23], [sflag:$0x2] =	stream.linear.gather [hbm4b:s1+s3], $0x50, $0x38;
	[tilespmem:$0x19580] =	vst v63  }
0x58: {  	_ =	swait.ge [sflag:s22], $0x50  }
0x59: {  	[sflag:s22] =	ssyncset.done $0x0  }
0x5a: {  	[sflag:s22] =	ssyncadd.s32 $0xFFFFFFB0  }
0x5b: {  	[tilespmem:s25], [sflag:$0x1] =	stream.indirect.gather [hbm4b:s0+s24], $0x80, s3, s24, $0xb8;
	[tilespmem:$0x19580] =	vst v63  }
0x5c: {  	_ =	swait.ge [sflag:s26], $0x2800  }
.Ltmp1:
0x5d: {  	[sflag:s26] =	ssyncset.done $0x0;
	(pc) =	sbr.rel @p1 .LBB2_4-.Ltmp1, $4  }
0x5e: {  	[sflag:s26] =	ssyncadd.s32 $0xFFFFD800  }
0x5f: {  	[spmem:s2] =	stream.indirect.scatter.add.f32 [tilespmem:s25], [sflag:$0x2], $0x80, s23, s24, $0xb8;
	[tilespmem:$0x19580] =	vst v63  }
0x60: {  	_ =	swait.ge [sflag:s22], $0x2800  }
0x61: {  	s30 =	smov.u32 s11;
	[sflag:s22] =	ssyncset.done $0x0  }
0x62: {  	s1 =	sadd.s32 s29, s20;
	[sflag:s22] =	ssyncadd.s32 $0xFFFFD800  }
0x63: {  	[tilespmem:s3], [sflag:$0x2] =	stream.linear.gather [hbm4b:s1+s3], $0x50, $0x38;
	[tilespmem:$0x19580] =	vst v63  }
0x64: {  	_ =	swait.ge [sflag:s22], $0x50  }
0x65: {  	[sflag:s22] =	ssyncset.done $0x0  }
0x66: {  	s30 =	sadd.s32 s29, s19;
	[sflag:s22] =	ssyncadd.s32 $0xFFFFFFB0  }
0x67: {  	[tilespmem:s23], [sflag:$0x2] =	stream.linear.gather [hbm4b:s30+s3], $0x50, $0x38;
	[tilespmem:$0x19580] =	vst v63  }
0x68: {  	_ =	swait.ge [sflag:s22], $0x50  }
0x69: {  	[sflag:s22] =	ssyncset.done $0x0  }
0x6a: {  	[sflag:s22] =	ssyncadd.s32 $0xFFFFFFB0  }
0x6b: {  	[tilespmem:s25], [sflag:$0x1] =	stream.indirect.gather [hbm4b:s0+s24], $0x80, s3, s24, $0xb8;
	[tilespmem:$0x19580] =	vst v63  }
0x6c: {  	_ =	swait.ge [sflag:s26], $0x2800  }
0x6d: {  	[sflag:s26] =	ssyncset.done $0x0  }
0x6e: {  	[sflag:s26] =	ssyncadd.s32 $0xFFFFD800  }
0x6f: {  	[spmem:s2] =	stream.indirect.scatter.add.f32 [tilespmem:s25], [sflag:$0x2], $0x80, s23, s24, $0xb8;
	[tilespmem:$0x19580] =	vst v63  }
0x70: {  	_ =	swait.ge [sflag:s22], $0x2800  }
0x71: {  	[sflag:s22] =	ssyncset.done $0x0  }
0x72: {  	[sflag:s22] =	ssyncadd.s32 $0xFFFFD800  }
0x73: {  	[bflag:$0x0] =	sbarrier.arrive $0xFFFF  }
0x74: {  	[tilespmem:s21], [sflag:$0x2] =	stream.linear.gather [spmem:s4], $0x3400, $0x38;
	[tilespmem:$0x19580] =	vst v63  }
0x75: {  	_ =	swait.ge [sflag:s22], $0x3400  }
0x76: {  	[sflag:s22] =	ssyncset.done $0x0  }
0x77: {  	s31 =	rddreg [dreg:$0x5];
	[sflag:s22] =	ssyncadd.s32 $0xFFFFCC00  }
0x78: {  	[hbm4b:s31+s3] =	stream.linear.scatter [tilespmem:s21], [sflag:$0x2], $0x3400, $0x38;
	[tilespmem:$0x19580] =	vst v63  }
0x79: {  	_ =	swait.ge [sflag:s22], $0x3400  }
0x7a: {  	[sflag:s22] =	ssyncset.done $0x0  }
0x7b: {  	[sflag:s22] =	ssyncadd.s32 $0xFFFFCC00  }
0x7c: {  	[tilespmem:s21], [sflag:$0x2] =	stream.linear.gather [spmem:s5], $0x3400, $0x38;
	[tilespmem:$0x19580] =	vst v63  }
0x7d: {  	_ =	swait.ge [sflag:s22], $0x3400  }
0x7e: {  	[sflag:s22] =	ssyncset.done $0x0  }
0x7f: {  	[sflag:s22] =	ssyncadd.s32 $0xFFFFCC00  }
0x80: {  	[hbm4b:s12+s3] =	stream.linear.scatter [tilespmem:s21], [sflag:$0x2], $0x3400, $0x38;
	[tilespmem:$0x19580] =	vst v63  }
0x81: {  	_ =	swait.ge [sflag:s22], $0x3400  }
0x82: {  	[sflag:s22] =	ssyncset.done $0x0  }
0x83: {  	[sflag:s22] =	ssyncadd.s32 $0xFFFFCC00  }
0x84: {  	[tilespmem:s21], [sflag:$0x2] =	stream.linear.gather [spmem:s6], $0x3400, $0x38;
	[tilespmem:$0x19580] =	vst v63  }
0x85: {  	_ =	swait.ge [sflag:s22], $0x3400  }
0x86: {  	[sflag:s22] =	ssyncset.done $0x0  }
0x87: {  	[sflag:s22] =	ssyncadd.s32 $0xFFFFCC00  }
0x88: {  	[hbm4b:s13+s3] =	stream.linear.scatter [tilespmem:s21], [sflag:$0x2], $0x3400, $0x38;
	[tilespmem:$0x19580] =	vst v63  }
0x89: {  	_ =	swait.ge [sflag:s22], $0x3400  }
0x8a: {  	[sflag:s22] =	ssyncset.done $0x0  }
0x8b: {  	[sflag:s22] =	ssyncadd.s32 $0xFFFFCC00  }
0x8c: {  	[tilespmem:s21], [sflag:$0x2] =	stream.linear.gather [spmem:s7], $0x3400, $0x38;
	[tilespmem:$0x19580] =	vst v63  }
0x8d: {  	_ =	swait.ge [sflag:s22], $0x3400  }
0x8e: {  	[sflag:s22] =	ssyncset.done $0x0  }
0x8f: {  	[sflag:s22] =	ssyncadd.s32 $0xFFFFCC00  }
0x90: {  	[hbm4b:s14+s3] =	stream.linear.scatter [tilespmem:s21], [sflag:$0x2], $0x3400, $0x38;
	[tilespmem:$0x19580] =	vst v63  }
0x91: {  	_ =	swait.ge [sflag:s22], $0x3400  }
0x92: {  	[sflag:s22] =	ssyncset.done $0x0  }
0x93: {  	[sflag:s22] =	ssyncadd.s32 $0xFFFFCC00  }
0x94: {  	[tilespmem:s21], [sflag:$0x2] =	stream.linear.gather [spmem:s8], $0x3400, $0x38;
	[tilespmem:$0x19580] =	vst v63  }
0x95: {  	_ =	swait.ge [sflag:s22], $0x3400  }
0x96: {  	[sflag:s22] =	ssyncset.done $0x0  }
0x97: {  	[sflag:s22] =	ssyncadd.s32 $0xFFFFCC00  }
0x98: {  	[hbm4b:s15+s3] =	stream.linear.scatter [tilespmem:s21], [sflag:$0x2], $0x3400, $0x38;
	[tilespmem:$0x19580] =	vst v63  }
0x99: {  	_ =	swait.ge [sflag:s22], $0x3400  }
0x9a: {  	[sflag:s22] =	ssyncset.done $0x0  }
0x9b: {  	[sflag:s22] =	ssyncadd.s32 $0xFFFFCC00  }
0x9c: {  	[tilespmem:s21], [sflag:$0x2] =	stream.linear.gather [spmem:s9], $0x3400, $0x38;
	[tilespmem:$0x19580] =	vst v63  }
0x9d: {  	_ =	swait.ge [sflag:s22], $0x3400  }
0x9e: {  	[sflag:s22] =	ssyncset.done $0x0  }
0x9f: {  	[sflag:s22] =	ssyncadd.s32 $0xFFFFCC00  }
0xa0: {  	[hbm4b:s16+s3] =	stream.linear.scatter [tilespmem:s21], [sflag:$0x2], $0x3400, $0x38;
	[tilespmem:$0x19580] =	vst v63  }
0xa1: {  	_ =	swait.ge [sflag:s22], $0x3400  }
0xa2: {  	[sflag:s22] =	ssyncset.done $0x0  }
0xa3: {  	s11 =	simm.s32 @!p0 $0x2;
	s1 =	simm.s32 @!p0 $0x2900;
	[sflag:s22] =	ssyncadd.s32 $0xFFFFCC00  }
0xa4: {  	[tilespmem:s1], [sflag:$0x2] =	stream.linear.gather @!p0 [spmem:s10], $0x800, $0x38;
	[tilespmem:$0x19580] =	vst v63  }
0xa5: {  	s28 =	sadd.s32 $0x1, s28;
	_ =	swait.ge @!p0 [sflag:s11], $0x800  }
0xa6: {  	p1 =	sne.s32 s28, s18;
	[sflag:s11] =	ssyncset.done @!p0 $0x0  }
.Ltmp2:
0xa7: {  	s29 =	simm.s32 @!p0 $0x0;
	[sflag:s11] =	ssyncadd.s32 @!p0 $0xFFFFF800;
	(pc) =	sbr.rel @p1 .LBB2_1-.Ltmp2, $4  }
0xa8: {  	[hbm4b:s17+s29] =	stream.linear.scatter @!p0 [tilespmem:s1], [sflag:$0x2], $0x800, $0x38;
	[tilespmem:$0x19580] =	vst v63  }
0xa9: {  	_ =	swait.ge @!p0 [sflag:s11], $0x800  }
0xaa: {  	[sflag:s11] =	ssyncset.done @!p0 $0x0  }
0xab: {  	[sflag:s11] =	ssyncadd.s32 @!p0 $0xFFFFF800  }
0xac: {  	_ =	sfence.sel $0x180000  }
0xad: {  	[bflag:$0x0] =	sbarrier.arrive $0xFFFF  }
0xae: {  	_ =	strace $0x90000047  }
0xaf: {  	[bflag:$0x2] =	sbarrier.arrive $0xFFFF  }
0xb0: {  	s0 =	rddreg [dreg:$0x4]  }
0xb1: {  	s0 =	sadd.s32 @!p0 $0x100000, s0  }
0xb2: {  	[sflag:s0] =	ssyncadd.tile.s32 @!p0 $0x1;
	_ =	shalt  }
.Lfunc_end2:
_tile_overlayer_lowered:
.L_overlay_start_2:
0xb3: {  	(tag) =	ssettag $0x2  }
0xb4: {  	s0 =	rddreg [dreg:$0x0];
	s2 =	stileid.u32  }
0xb5: {  	s1 =	rddreg [dreg:$0x1];
	p0 =	sne.s32 s2, $0x0  }
0xb6: {  	s3 =	rddreg [dreg:$0x2];
	[bflag:$0x3] =	sbarrier.arrive $0xFFFF;
	s2 =	simm.s32 @!p0 $0x1C02  }
0xb7: {  	[timem:s3], [sflag:s2] =	dma.local @!p0 [hbm:s0], s1  }
0xb8: {  	s0 =	simm.s32 @!p0 $0x2  }
0xb9: {  	_ =	swait.ge @!p0 [sflag:s0], s1  }
0xba: {  	s1 =	ssub.s32 @!p0 $0x0, s1;
	[sflag:s0] =	ssyncset.done @!p0 $0x0  }
0xbb: {  	[sflag:s0] =	ssyncadd.s32 @!p0 s1  }
0xbc: {  	[bflag:$0x3] =	sbarrier.arrive $0xFFFF  }
0xbd: {  	_ =	shalt  }

</sc_bundles>
